<compile_context>
chip_gen: v7x
topology: tpu7x:2x2x1
jax: 0.10.2.dev20260603
libtpu: 0.0.44.dev20260713+nightly
codegen_flags: <defaults>
</compile_context>

<pallas_src>
import functools
import math

import jax
import jax.numpy as jnp
from jax import lax
from jax.experimental import pallas as pl
from jax.experimental.pallas import tpu as pltpu, tpu_sc as plsc

N = 10000
E = 320000
D = 128
H = 8
C = 16
FF = 2 * D

NC = 2
NS = 16
NW = NC * NS
EW = E // NW
CH = 80
NCHUNK = EW // CH
EC = E // NC
NP = 10240
RT = NP // NS
ZR = 32

f32 = jnp.float32
bf16 = jnp.bfloat16
i32 = jnp.int32


def _node_tables_body(x_ref, w_ref, b_ref, q_ref, kv_ref, skip_ref):
    y = jnp.dot(x_ref[...], w_ref[...], preferred_element_type=f32) + b_ref[...]
    q_ref[...] = y[:, :D]
    kv_ref[...] = y[:, D:3 * D]
    skip_ref[...] = y[:, 3 * D:]


def _node_tables(x, wall, ball):
    bn = 1000
    return pl.pallas_call(
        _node_tables_body,
        grid=(N // bn,),
        in_specs=[
            pl.BlockSpec((bn, D), lambda i: (i, 0)),
            pl.BlockSpec((D, 4 * D), lambda i: (0, 0)),
            pl.BlockSpec((1, 4 * D), lambda i: (0, 0)),
        ],
        out_specs=[
            pl.BlockSpec((bn, D), lambda i: (i, 0)),
            pl.BlockSpec((bn, 2 * D), lambda i: (i, 0)),
            pl.BlockSpec((bn, D), lambda i: (i, 0)),
        ],
        out_shape=[
            jax.ShapeDtypeStruct((N, D), f32),
            jax.ShapeDtypeStruct((N, 2 * D), f32),
            jax.ShapeDtypeStruct((N, D), f32),
        ],
    )(x, wall, ball)


_sc_mesh = plsc.VectorSubcoreMesh(core_axis_name="c", subcore_axis_name="s")


@functools.partial(
    pl.kernel,
    mesh=_sc_mesh,
    out_type=[
        jax.ShapeDtypeStruct((E, D), f32),
        jax.ShapeDtypeStruct((E, 2 * D), f32),
    ],
    scratch_types=[
        pltpu.VMEM((CH,), i32),
        pltpu.VMEM((CH,), i32),
        pltpu.VMEM((CH, D), f32),
        pltpu.VMEM((CH, 2 * D), f32),
        pltpu.SemaphoreType.DMA,
        pltpu.SemaphoreType.DMA,
    ],
)
def _sc_gather(src_h, dst_h, qtab_h, kvtab_h, qd_out, kv_out,
               sidx, didx, qbuf, kvbuf, sem1, sem2):
    wid = lax.axis_index("s") * NC + lax.axis_index("c")

    def body(i, _):
        base = pl.multiple_of(wid * EW + i * CH, 8)
        pltpu.sync_copy(src_h.at[pl.ds(base, CH)], sidx)
        pltpu.sync_copy(dst_h.at[pl.ds(base, CH)], didx)
        g1 = pltpu.async_copy(qtab_h.at[didx], qbuf, sem1)
        g2 = pltpu.async_copy(kvtab_h.at[sidx], kvbuf, sem2)
        g1.wait()
        g2.wait()
        pltpu.sync_copy(qbuf, qd_out.at[pl.ds(base, CH)])
        pltpu.sync_copy(kvbuf, kv_out.at[pl.ds(base, CH)])
        return 0

    lax.fori_loop(0, NCHUNK, body, 0)


def _edge_body(attr_ref, qd_ref, xkv_ref, dst_ref, wkv_ref, bkv_ref, mh_ref,
               mht_ref, wv_ref, w8_ref, idx_ref):
    akv = jnp.dot(attr_ref[...], wkv_ref[...], preferred_element_type=f32)
    kv = akv + bkv_ref[...] + xkv_ref[...]
    k = kv[:, :D]
    v = kv[:, D:]
    alpha = jnp.dot(qd_ref[...] * k, mh_ref[...], preferred_element_type=f32) * 0.25
    w = jnp.exp(alpha)
    wrep = jnp.dot(w, mht_ref[...], preferred_element_type=f32)
    wv_ref[...] = wrep * v
    w8_ref[...] = w
    d = dst_ref[0]
    idx_ref[...] = d.T * H + jax.lax.broadcasted_iota(i32, (d.shape[1], H), 1)


def _edge_pass(attr, qd, xkv, dst3, wkv, bkv, mh, mht):
    be = 2000
    return pl.pallas_call(
        _edge_body,
        grid=(E // be,),
        in_specs=[
            pl.BlockSpec((be, D), lambda i: (i, 0)),
            pl.BlockSpec((be, D), lambda i: (i, 0)),
            pl.BlockSpec((be, 2 * D), lambda i: (i, 0)),
            pl.BlockSpec((1, 1, be), lambda i: (i, 0, 0)),
            pl.BlockSpec((D, 2 * D), lambda i: (0, 0)),
            pl.BlockSpec((1, 2 * D), lambda i: (0, 0)),
            pl.BlockSpec((D, H), lambda i: (0, 0)),
            pl.BlockSpec((H, D), lambda i: (0, 0)),
        ],
        out_specs=[
            pl.BlockSpec((be, D), lambda i: (i, 0)),
            pl.BlockSpec((be, H), lambda i: (i, 0)),
            pl.BlockSpec((be, H), lambda i: (i, 0)),
        ],
        out_shape=[
            jax.ShapeDtypeStruct((E, D), f32),
            jax.ShapeDtypeStruct((E, H), f32),
            jax.ShapeDtypeStruct((E, H), i32),
        ],
    )(attr, qd, xkv, dst3, wkv, bkv, mh, mht)


WFLAT = NP * H
WTS = WFLAT // NS


@functools.partial(
    pl.kernel,
    mesh=_sc_mesh,
    out_type=jax.ShapeDtypeStruct((NC, NP, D), f32),
    scratch_types=[
        pltpu.VMEM((CH,), i32),
        pltpu.VMEM((CH, D), f32),
        pltpu.VMEM((ZR, D), f32),
        pltpu.VMEM_SHARED((NP, D), f32),
    ],
)
def _sc_scatter_v(dst_h, wv_h, acc_out, didx, vbuf, zv, acc_sh):
    cid = lax.axis_index("c")
    sid = lax.axis_index("s")
    zero = jnp.zeros((C,), f32)

    def zbody(i, _):
        for j in range(D // C):
            zv[i, pl.ds(j * C, C)] = zero
        return 0

    lax.fori_loop(0, ZR, zbody, 0)

    def zcopy(i, _):
        r = pl.multiple_of(sid * RT + i * ZR, 8)
        pltpu.sync_copy(zv, acc_sh.at[pl.ds(r, ZR)])
        return 0

    lax.fori_loop(0, RT // ZR, zcopy, 0)
    plsc.subcore_barrier()

    def body(i, _):
        base = pl.multiple_of(cid * EC + sid * EW + i * CH, 8)
        pltpu.sync_copy(dst_h.at[pl.ds(base, CH)], didx)
        pltpu.sync_copy(wv_h.at[pl.ds(base, CH)], vbuf)
        pltpu.sync_copy(vbuf, acc_sh.at[didx], add=True)
        return 0

    lax.fori_loop(0, NCHUNK, body, 0)
    plsc.subcore_barrier()

    r = pl.multiple_of(sid * RT, 8)
    pltpu.sync_copy(acc_sh.at[pl.ds(r, RT)], acc_out.at[cid, pl.ds(r, RT)])


@functools.partial(
    pl.kernel,
    mesh=_sc_mesh,
    out_type=jax.ShapeDtypeStruct((NC, WFLAT), f32),
    scratch_types=[
        pltpu.VMEM((CH * H,), i32),
        pltpu.VMEM((CH * H,), f32),
        pltpu.VMEM_SHARED((WFLAT,), f32),
    ],
)
def _sc_scatter_w(idxf_h, w8f_h, zf_h, accwf_out, idc, wcc, accwf_sh):
    cid = lax.axis_index("c")
    sid = lax.axis_index("s")
    rw = pl.multiple_of(sid * WTS, 8)
    pltpu.sync_copy(zf_h.at[pl.ds(rw, WTS)], accwf_sh.at[pl.ds(rw, WTS)])
    plsc.subcore_barrier()

    def body(i, _):
        b8 = pl.multiple_of((cid * EC + sid * EW + i * CH) * H, 8)
        pltpu.sync_copy(idxf_h.at[pl.ds(b8, CH * H)], idc)
        pltpu.sync_copy(w8f_h.at[pl.ds(b8, CH * H)], wcc)
        pltpu.sync_copy(wcc, accwf_sh.at[idc], add=True)
        return 0

    lax.fori_loop(0, NCHUNK, body, 0)
    plsc.subcore_barrier()
    pltpu.sync_copy(accwf_sh.at[pl.ds(rw, WTS)], accwf_out.at[cid, pl.ds(rw, WTS)])


def _node_out_body(accv_ref, accw_ref, skip_ref, x_ref, mht_ref,
                   w1_ref, b1_ref, w2_ref, b2_ref,
                   g1_ref, be1_ref, g2_ref, be2_ref, out_ref):
    av = accv_ref[0] + accv_ref[1]
    aw = accw_ref[0] + accw_ref[1]
    srep = jnp.dot(aw, mht_ref[...], preferred_element_type=f32)
    out = av / (srep + 1e-16) + skip_ref[...]
    h = x_ref[...] + out
    mu = jnp.mean(h, axis=1, keepdims=True)
    var = jnp.mean((h - mu) ** 2, axis=1, keepdims=True)
    h = (h - mu) / jnp.sqrt(var + 1e-5) * g1_ref[...] + be1_ref[...]
    ff = jnp.dot(
        jnp.maximum(jnp.dot(h, w1_ref[...], preferred_element_type=f32)
                    + b1_ref[...], 0.0),
        w2_ref[...], preferred_element_type=f32) + b2_ref[...]
    h = h + ff
    mu = jnp.mean(h, axis=1, keepdims=True)
    var = jnp.mean((h - mu) ** 2, axis=1, keepdims=True)
    out_ref[...] = (h - mu) / jnp.sqrt(var + 1e-5) * g2_ref[...] + be2_ref[...]


def _node_out(accv, accw, skip, x, mht, w1, b1, w2, b2, g1, be1, g2, be2):
    bn = 1000
    return pl.pallas_call(
        _node_out_body,
        grid=(N // bn,),
        in_specs=[
            pl.BlockSpec((NC, bn, D), lambda i: (0, i, 0)),
            pl.BlockSpec((NC, bn, H), lambda i: (0, i, 0)),
            pl.BlockSpec((bn, D), lambda i: (i, 0)),
            pl.BlockSpec((bn, D), lambda i: (i, 0)),
            pl.BlockSpec((H, D), lambda i: (0, 0)),
            pl.BlockSpec((D, FF), lambda i: (0, 0)),
            pl.BlockSpec((1, FF), lambda i: (0, 0)),
            pl.BlockSpec((FF, D), lambda i: (0, 0)),
            pl.BlockSpec((1, D), lambda i: (0, 0)),
            pl.BlockSpec((1, D), lambda i: (0, 0)),
            pl.BlockSpec((1, D), lambda i: (0, 0)),
            pl.BlockSpec((1, D), lambda i: (0, 0)),
            pl.BlockSpec((1, D), lambda i: (0, 0)),
        ],
        out_specs=pl.BlockSpec((bn, D), lambda i: (i, 0)),
        out_shape=jax.ShapeDtypeStruct((N, D), f32),
    )(accv, accw, skip, x, mht, w1, b1, w2, b2, g1, be1, g2, be2)


def kernel(x, edge_index, edge_attr, Wq, bq, Wk, bk, Wv, bv, Ws, bs,
           g1, be1, W1, b1, W2, b2, g2, be2):
    zb = jnp.zeros_like(bk)
    wall = jnp.concatenate([Wq, Wk, Wv, Ws], axis=1)
    ball = jnp.concatenate([bq, zb, zb, bs])[None, :]
    wkv = jnp.concatenate([Wk, Wv], axis=1)
    bkv = jnp.concatenate([bk, bv])[None, :]

    head = jnp.arange(D, dtype=i32) // C
    mh = (head[:, None] == jnp.arange(H, dtype=i32)[None, :]).astype(f32)
    mht = mh.T

    src = edge_index[0]
    dst = edge_index[1]

    qtab, kvtab, skip = _node_tables(x, wall, ball)
    qd, xkv = _sc_gather(src, dst, qtab, kvtab)
    wv, w8, idx8 = _edge_pass(edge_attr, qd, xkv,
                              dst.reshape(E // 2000, 1, 2000),
                              wkv, bkv, mh, mht)
    zf = jnp.zeros((NP * H,), f32)
    accv = _sc_scatter_v(dst, wv)
    accwf = _sc_scatter_w(idx8.reshape(E * H), w8.reshape(E * H), zf)
    accw = accwf.reshape(NC, NP, H)
    return _node_out(accv, accw, skip, x, mht,
                     W1, b1[None, :], W2, b2[None, :],
                     g1[None, :], be1[None, :], g2[None, :], be2[None, :])

# --- scband reference (transcript-rebuilt; emitter-appended) ---
"""Pipeline reference for scband-sparse-edge-full-layer-17549236371611 (READ-ONLY COPY).

The authoritative reference and input builder live on the scoring server;
editing this copy changes nothing except your own understanding.
"""

import jax, jax.numpy as jnp
import numpy as np
import math

N = 10000
E = 320000
D = 128
H = 8
C = D // H
FF = 2 * D


def _lin_params(key, fin, fout):
    k1, k2 = jax.random.split(key)
    bound = 1.0 / math.sqrt(fin)
    W = jax.random.uniform(k1, (fin, fout), minval=-bound, maxval=bound, dtype=jnp.float32)
    b = jax.random.uniform(k2, (fout,), minval=-bound, maxval=bound, dtype=jnp.float32)
    return W, b


def setup_inputs(seed: int = 0) -> dict:
    key = jax.random.key(seed)
    ks = jax.random.split(key, 10)
    x = jax.random.normal(ks[0], (N, D), dtype=jnp.float32)
    edge_index = jax.random.randint(ks[1], (2, E), 0, N, dtype=jnp.int32)
    edge_attr = jax.random.normal(ks[2], (E, D), dtype=jnp.float32)
    Wq, bq = _lin_params(ks[3], D, D)
    Wk, bk = _lin_params(ks[4], D, D)
    Wv, bv = _lin_params(ks[5], D, D)
    Ws, bs = _lin_params(ks[6], D, D)
    W1, b1 = _lin_params(ks[7], D, FF)
    W2, b2 = _lin_params(ks[8], FF, D)
    g1 = jnp.ones((D,), jnp.float32); be1 = jnp.zeros((D,), jnp.float32)
    g2 = jnp.ones((D,), jnp.float32); be2 = jnp.zeros((D,), jnp.float32)
    return dict(x=x, edge_index=edge_index, edge_attr=edge_attr,
                Wq=Wq, bq=bq, Wk=Wk, bk=bk, Wv=Wv, bv=bv, Ws=Ws, bs=bs,
                g1=g1, be1=be1, W1=W1, b1=b1, W2=W2, b2=b2, g2=g2, be2=be2)


def _layernorm(h, g, b):
    mu = h.mean(-1, keepdims=True)
    var = ((h - mu) ** 2).mean(-1, keepdims=True)
    return (h - mu) / jnp.sqrt(var + 1e-5) * g + b


def _forward(x, edge_attr, Wq, bq, Wk, bk, Wv, bv, Ws, bs, g1, be1, W1, b1, W2, b2, g2, be2, src, dst):
    # SparseEdgeConv message: combine='add' -> key_j = value_j = x[src] + edge_attr
    kv_in = x[src] + edge_attr
    q = (x @ Wq + bq)[dst].reshape(E, H, C)
    k = (kv_in @ Wk + bk).reshape(E, H, C)
    v = (kv_in @ Wv + bv).reshape(E, H, C)
    alpha = (q * k).sum(-1) / math.sqrt(C)  # [E, H]
    # segment softmax over edges grouped by destination node
    m = jax.ops.segment_max(alpha, dst, num_segments=N)
    m = jnp.where(jnp.isfinite(m), m, 0.0)
    e = jnp.exp(alpha - m[dst])
    s = jax.ops.segment_sum(e, dst, num_segments=N)
    alpha = e / (s[dst] + 1e-16)
    # aggregate (aggr='add')
    out = jax.ops.segment_sum(v * alpha[..., None], dst, num_segments=N).reshape(N, D)
    # root weight skip inside conv
    out = out + x @ Ws + bs
    # full layer: residual + LayerNorm + FFN + residual + LayerNorm (dropout=0)
    h = x + out
    h = _layernorm(h, g1, be1)
    ff = jax.nn.relu(h @ W1 + b1) @ W2 + b2
    h = h + ff
    return _layernorm(h, g2, be2)


def reference(x, edge_index, edge_attr, Wq, bq, Wk, bk, Wv, bv, Ws, bs, g1, be1, W1, b1, W2, b2, g2, be2):
    return _forward(x, edge_attr, Wq, bq, Wk, bk, Wv, bv, Ws, bs, g1, be1, W1, b1, W2, b2, g2, be2,
                    edge_index[0], edge_index[1])

if __name__ == "__main__":
    import jax
    _d = setup_inputs()
    print(jax.jit(kernel)(*tuple(_d.values())))

</pallas_src>

<mosaic_0001>
#map = affine_map<(d0, d1) -> (0)>
#map1 = affine_map<(d0, d1) -> (0, 0)>
#map2 = affine_map<(d0, d1) -> (0, 0, 0)>
module attributes {stable_mosaic.version = 14 : i64} {
  func.func @_sc_scatter_v(%arg0: i32, %arg1: i32, %arg2: memref<320000xi32, #tpu.memory_space<hbm>>, %arg3: memref<320000x128xf32, #tpu.memory_space<hbm>>, %arg4: memref<2x10240x128xf32, #tpu.memory_space<hbm>>, %arg5: memref<80xi32, #tpu.memory_space<vmem>>, %arg6: memref<80x128xf32, #tpu.memory_space<vmem>>, %arg7: memref<32x128xf32, #tpu.memory_space<vmem>>, %arg8: memref<10240x128xf32, #tpu.memory_space<vmem_shared>>) attributes {dimension_semantics = [#tpu.dimension_semantics<core_parallel>, #tpu.dimension_semantics<subcore_parallel>], iteration_bounds = array<i64: 2, 16>, scalar_prefetch = 0 : i64, scratch_operands = 4 : i64, tpu.core_type = #tpu.core_type<sc_vector_subcore>, window_params = [{transform_indices = #map}, {transform_indices = #map1}, {transform_indices = #map2}]} {
    %broadcast_in_dim3A = arith.constant 0.000000e+00 : f32
    %broadcast_in_dim3A_0 = vector.broadcast %broadcast_in_dim3A : f32 to vector<16xf32>
    %scan3A = arith.constant 0 : i32
    %scan3A_1 = arith.constant 0 : i32
    %scan3A_2 = arith.constant 32 : i32
    %scan3A_3 = arith.addi %scan3A_1, %scan3A_2 : i32
    %scan3A_4 = arith.constant 1 : i32
    %scan3A_5 = scf.for %scan3A_23 = %scan3A_1 to %scan3A_3 step %scan3A_4 iter_args(%scan3A_24 = %scan3A) -> (i32)  : i32 {
      %swap3A = arith.index_cast %scan3A_23 : i32 to index
      %swap3A_25 = arith.constant 0 : index
      %swap3A_26 = tpu.vector_load %arg7[%swap3A, %swap3A_25] {strides = array<i32>} : memref<32x128xf32, #tpu.memory_space<vmem>>, vector<1x16xf32>,
      %swap3A_27 = vector.shape_cast %swap3A_26 : vector<1x16xf32> to vector<16xf32>
      %swap3A_28 = vector.shape_cast %broadcast_in_dim3A_0 : vector<16xf32> to vector<1x16xf32>
      tpu.vector_store %arg7[%swap3A, %swap3A_25], %swap3A_28 {strides = array<i32>} : memref<32x128xf32, #tpu.memory_space<vmem>>, vector<1x16xf32>,
      %swap3A_29 = arith.index_cast %scan3A_23 : i32 to index
      %swap3A_30 = arith.constant 16 : index
      %swap3A_31 = tpu.vector_load %arg7[%swap3A_29, %swap3A_30] {strides = array<i32>} : memref<32x128xf32, #tpu.memory_space<vmem>>, vector<1x16xf32>,
      %swap3A_32 = vector.shape_cast %swap3A_31 : vector<1x16xf32> to vector<16xf32>
      %swap3A_33 = vector.shape_cast %broadcast_in_dim3A_0 : vector<16xf32> to vector<1x16xf32>
      tpu.vector_store %arg7[%swap3A_29, %swap3A_30], %swap3A_33 {strides = array<i32>} : memref<32x128xf32, #tpu.memory_space<vmem>>, vector<1x16xf32>,
      %swap3A_34 = arith.index_cast %scan3A_23 : i32 to index
      %swap3A_35 = arith.constant 32 : index
      %swap3A_36 = tpu.vector_load %arg7[%swap3A_34, %swap3A_35] {strides = array<i32>} : memref<32x128xf32, #tpu.memory_space<vmem>>, vector<1x16xf32>,
      %swap3A_37 = vector.shape_cast %swap3A_36 : vector<1x16xf32> to vector<16xf32>
      %swap3A_38 = vector.shape_cast %broadcast_in_dim3A_0 : vector<16xf32> to vector<1x16xf32>
      tpu.vector_store %arg7[%swap3A_34, %swap3A_35], %swap3A_38 {strides = array<i32>} : memref<32x128xf32, #tpu.memory_space<vmem>>, vector<1x16xf32>,
      %swap3A_39 = arith.index_cast %scan3A_23 : i32 to index
      %swap3A_40 = arith.constant 48 : index
      %swap3A_41 = tpu.vector_load %arg7[%swap3A_39, %swap3A_40] {strides = array<i32>} : memref<32x128xf32, #tpu.memory_space<vmem>>, vector<1x16xf32>,
      %swap3A_42 = vector.shape_cast %swap3A_41 : vector<1x16xf32> to vector<16xf32>
      %swap3A_43 = vector.shape_cast %broadcast_in_dim3A_0 : vector<16xf32> to vector<1x16xf32>
      tpu.vector_store %arg7[%swap3A_39, %swap3A_40], %swap3A_43 {strides = array<i32>} : memref<32x128xf32, #tpu.memory_space<vmem>>, vector<1x16xf32>,
      %swap3A_44 = arith.index_cast %scan3A_23 : i32 to index
      %swap3A_45 = arith.constant 64 : index
      %swap3A_46 = tpu.vector_load %arg7[%swap3A_44, %swap3A_45] {strides = array<i32>} : memref<32x128xf32, #tpu.memory_space<vmem>>, vector<1x16xf32>,
      %swap3A_47 = vector.shape_cast %swap3A_46 : vector<1x16xf32> to vector<16xf32>
      %swap3A_48 = vector.shape_cast %broadcast_in_dim3A_0 : vector<16xf32> to vector<1x16xf32>
      tpu.vector_store %arg7[%swap3A_44, %swap3A_45], %swap3A_48 {strides = array<i32>} : memref<32x128xf32, #tpu.memory_space<vmem>>, vector<1x16xf32>,
      %swap3A_49 = arith.index_cast %scan3A_23 : i32 to index
      %swap3A_50 = arith.constant 80 : index
      %swap3A_51 = tpu.vector_load %arg7[%swap3A_49, %swap3A_50] {strides = array<i32>} : memref<32x128xf32, #tpu.memory_space<vmem>>, vector<1x16xf32>,
      %swap3A_52 = vector.shape_cast %swap3A_51 : vector<1x16xf32> to vector<16xf32>
      %swap3A_53 = vector.shape_cast %broadcast_in_dim3A_0 : vector<16xf32> to vector<1x16xf32>
      tpu.vector_store %arg7[%swap3A_49, %swap3A_50], %swap3A_53 {strides = array<i32>} : memref<32x128xf32, #tpu.memory_space<vmem>>, vector<1x16xf32>,
      %swap3A_54 = arith.index_cast %scan3A_23 : i32 to index
      %swap3A_55 = arith.constant 96 : index
      %swap3A_56 = tpu.vector_load %arg7[%swap3A_54, %swap3A_55] {strides = array<i32>} : memref<32x128xf32, #tpu.memory_space<vmem>>, vector<1x16xf32>,
      %swap3A_57 = vector.shape_cast %swap3A_56 : vector<1x16xf32> to vector<16xf32>
      %swap3A_58 = vector.shape_cast %broadcast_in_dim3A_0 : vector<16xf32> to vector<1x16xf32>
      tpu.vector_store %arg7[%swap3A_54, %swap3A_55], %swap3A_58 {strides = array<i32>} : memref<32x128xf32, #tpu.memory_space<vmem>>, vector<1x16xf32>,
      %swap3A_59 = arith.index_cast %scan3A_23 : i32 to index
      %swap3A_60 = arith.constant 112 : index
      %swap3A_61 = tpu.vector_load %arg7[%swap3A_59, %swap3A_60] {strides = array<i32>} : memref<32x128xf32, #tpu.memory_space<vmem>>, vector<1x16xf32>,
      %swap3A_62 = vector.shape_cast %swap3A_61 : vector<1x16xf32> to vector<16xf32>
      %swap3A_63 = vector.shape_cast %broadcast_in_dim3A_0 : vector<16xf32> to vector<1x16xf32>
      tpu.vector_store %arg7[%swap3A_59, %swap3A_60], %swap3A_63 {strides = array<i32>} : memref<32x128xf32, #tpu.memory_space<vmem>>, vector<1x16xf32>,
      %scan3A_64 = arith.constant 0 : i32
      scf.yield %scan3A_64 : i32
    }
    %scan3A_6 = arith.constant 32 : i32
    %scan3A_7 = arith.constant 0 : i32
    %scan3A_8 = arith.constant 0 : i32
    %scan3A_9 = arith.constant 20 : i32
    %scan3A_10 = arith.addi %scan3A_8, %scan3A_9 : i32
    %scan3A_11 = arith.constant 1 : i32
    %scan3A_12 = scf.for %scan3A_23 = %scan3A_8 to %scan3A_10 step %scan3A_11 iter_args(%scan3A_24 = %scan3A_7) -> (i32)  : i32 {
      %mul3A_25 = arith.constant 640 : i32
      %mul3A_26 = arith.muli %arg1, %mul3A_25 : i32
      %mul3A_27 = arith.constant 32 : i32
      %mul3A_28 = arith.muli %scan3A_23, %mul3A_27 : i32
      %add3A = arith.addi %mul3A_26, %mul3A_28 : i32
      %multiple_of3A_29 = tpu.assume_multiple %add3A, 8 : i32
      "tpu.region"() ({
        %run_scoped3A = tpu.sem_alloc : memref<!tpu.dma_semaphore, #tpu.memory_space<semaphore_mem>>
        %dma_start3A = arith.constant 0 : i32
        %dma_start3A_31 = tpu.memref_slice %arg8[%multiple_of3A_29, %dma_start3A] : memref<10240x128xf32, #tpu.memory_space<vmem_shared>> -> memref<32x128xf32, #tpu.memory_space<vmem_shared>>
        %dma_start3A_32 = arith.constant 0 : i32
        %dma_start3A_33 = tpu.memref_slice %arg8[%multiple_of3A_29, %dma_start3A_32] : memref<10240x128xf32, #tpu.memory_space<vmem_shared>> -> memref<32x128xf32, #tpu.memory_space<vmem_shared>>
        tpu.enqueue_dma source(%arg7 : memref<32x128xf32, #tpu.memory_space<vmem>>) target(%dma_start3A_33 : memref<32x128xf32, #tpu.memory_space<vmem_shared>>) target_semaphore(%run_scoped3A : memref<!tpu.dma_semaphore, #tpu.memory_space<semaphore_mem>>)
        %dma_wait3A = arith.constant 0 : i32
        %dma_wait3A_34 = tpu.memref_slice %arg8[%multiple_of3A_29, %dma_wait3A] : memref<10240x128xf32, #tpu.memory_space<vmem_shared>> -> memref<32x128xf32, #tpu.memory_space<vmem_shared>>
        %dma_wait3A_35 = arith.constant 0 : i32
        %dma_wait3A_36 = tpu.memref_slice %arg8[%multiple_of3A_29, %dma_wait3A_35] : memref<10240x128xf32, #tpu.memory_space<vmem_shared>> -> memref<32x128xf32, #tpu.memory_space<vmem_shared>>
        tpu.wait_dma2 semaphore(%run_scoped3A : memref<!tpu.dma_semaphore, #tpu.memory_space<semaphore_mem>>) src(%arg7 : memref<32x128xf32, #tpu.memory_space<vmem>>) dst(%dma_wait3A_36 : memref<32x128xf32, #tpu.memory_space<vmem_shared>>)
        tpu.yield
      }) : () -> ()
      %scan3A_30 = arith.constant 0 : i32
      scf.yield %scan3A_30 : i32
    }
    %scan3A_13 = arith.constant 20 : i32
    %barrier3A = arith.constant 0 : index
    tpu.barrier barrier_id(%barrier3A)
    %scan3A_14 = arith.constant 0 : i32
    %scan3A_15 = arith.constant 0 : i32
    %scan3A_16 = arith.constant 125 : i32
    %scan3A_17 = arith.addi %scan3A_15, %scan3A_16 : i32
    %scan3A_18 = arith.constant 1 : i32
    %scan3A_19 = scf.for %scan3A_23 = %scan3A_15 to %scan3A_17 step %scan3A_18 iter_args(%scan3A_24 = %scan3A_14) -> (i32)  : i32 {
      %mul3A_25 = arith.constant 160000 : i32
      %mul3A_26 = arith.muli %arg0, %mul3A_25 : i32
      %mul3A_27 = arith.constant 10000 : i32
      %mul3A_28 = arith.muli %arg1, %mul3A_27 : i32
      %add3A = arith.addi %mul3A_26, %mul3A_28 : i32
      %mul3A_29 = arith.constant 80 : i32
      %mul3A_30 = arith.muli %scan3A_23, %mul3A_29 : i32
      %add3A_31 = arith.addi %add3A, %mul3A_30 : i32
      %multiple_of3A_32 = tpu.assume_multiple %add3A_31, 8 : i32
      "tpu.region"() ({
        %run_scoped3A = tpu.sem_alloc : memref<!tpu.dma_semaphore, #tpu.memory_space<semaphore_mem>>
        %dma_start3A = tpu.memref_slice %arg2[%multiple_of3A_32] : memref<320000xi32, #tpu.memory_space<hbm>> -> memref<80xi32, #tpu.memory_space<hbm>>
        %dma_start3A_34 = tpu.memref_slice %arg2[%multiple_of3A_32] : memref<320000xi32, #tpu.memory_space<hbm>> -> memref<80xi32, #tpu.memory_space<hbm>>
        tpu.enqueue_dma source(%dma_start3A_34 : memref<80xi32, #tpu.memory_space<hbm>>) target(%arg5 : memref<80xi32, #tpu.memory_space<vmem>>) target_semaphore(%run_scoped3A : memref<!tpu.dma_semaphore, #tpu.memory_space<semaphore_mem>>)
        %dma_wait3A = tpu.memref_slice %arg2[%multiple_of3A_32] : memref<320000xi32, #tpu.memory_space<hbm>> -> memref<80xi32, #tpu.memory_space<hbm>>
        %dma_wait3A_35 = tpu.memref_slice %arg2[%multiple_of3A_32] : memref<320000xi32, #tpu.memory_space<hbm>> -> memref<80xi32, #tpu.memory_space<hbm>>
        tpu.wait_dma2 semaphore(%run_scoped3A : memref<!tpu.dma_semaphore, #tpu.memory_space<semaphore_mem>>) src(%dma_wait3A_35 : memref<80xi32, #tpu.memory_space<hbm>>) dst(%arg5 : memref<80xi32, #tpu.memory_space<vmem>>)
        tpu.yield
      }) : () -> ()
      "tpu.region"() ({
        %run_scoped3A = tpu.sem_alloc : memref<!tpu.dma_semaphore, #tpu.memory_space<semaphore_mem>>
        %dma_start3A = arith.constant 0 : i32
        %dma_start3A_34 = tpu.memref_slice %arg3[%multiple_of3A_32, %dma_start3A] : memref<320000x128xf32, #tpu.memory_space<hbm>> -> memref<80x128xf32, #tpu.memory_space<hbm>>
        %dma_start3A_35 = arith.constant 0 : i32
        %dma_start3A_36 = tpu.memref_slice %arg3[%multiple_of3A_32, %dma_start3A_35] : memref<320000x128xf32, #tpu.memory_space<hbm>> -> memref<80x128xf32, #tpu.memory_space<hbm>>
        tpu.enqueue_dma source(%dma_start3A_36 : memref<80x128xf32, #tpu.memory_space<hbm>>) target(%arg6 : memref<80x128xf32, #tpu.memory_space<vmem>>) target_semaphore(%run_scoped3A : memref<!tpu.dma_semaphore, #tpu.memory_space<semaphore_mem>>)
        %dma_wait3A = arith.constant 0 : i32
        %dma_wait3A_37 = tpu.memref_slice %arg3[%multiple_of3A_32, %dma_wait3A] : memref<320000x128xf32, #tpu.memory_space<hbm>> -> memref<80x128xf32, #tpu.memory_space<hbm>>
        %dma_wait3A_38 = arith.constant 0 : i32
        %dma_wait3A_39 = tpu.memref_slice %arg3[%multiple_of3A_32, %dma_wait3A_38] : memref<320000x128xf32, #tpu.memory_space<hbm>> -> memref<80x128xf32, #tpu.memory_space<hbm>>
        tpu.wait_dma2 semaphore(%run_scoped3A : memref<!tpu.dma_semaphore, #tpu.memory_space<semaphore_mem>>) src(%dma_wait3A_39 : memref<80x128xf32, #tpu.memory_space<hbm>>) dst(%arg6 : memref<80x128xf32, #tpu.memory_space<vmem>>)
        tpu.yield
      }) : () -> ()
      "tpu.region"() ({
        %run_scoped3A = tpu.sem_alloc : memref<!tpu.dma_semaphore, #tpu.memory_space<semaphore_mem>>
        %dma_start3A = arith.constant 0 : i32
        %dma_start3A_34 = arith.constant 0 : i32
        %dma_start3A_35 = tpu.memref_slice %arg8[%dma_start3A, %dma_start3A_34] : memref<10240x128xf32, #tpu.memory_space<vmem_shared>> -> memref<10240x128xf32, #tpu.memory_space<vmem_shared>>
        tpu.enqueue_indirect_dma source(%arg6 : memref<80x128xf32, #tpu.memory_space<vmem>>) target(%dma_start3A_35 : memref<10240x128xf32, #tpu.memory_space<vmem_shared>>) offsets(%arg5 : memref<80xi32, #tpu.memory_space<vmem>>) semaphore(%run_scoped3A : memref<!tpu.dma_semaphore, #tpu.memory_space<semaphore_mem>>) {add = true}
        %dma_wait3A = arith.constant 0 : i32
        %dma_wait3A_36 = arith.constant 0 : i32
        %dma_wait3A_37 = tpu.memref_slice %arg8[%dma_wait3A, %dma_wait3A_36] : memref<10240x128xf32, #tpu.memory_space<vmem_shared>> -> memref<10240x128xf32, #tpu.memory_space<vmem_shared>>
        tpu.wait_indirect_dma semaphore(%run_scoped3A : memref<!tpu.dma_semaphore, #tpu.memory_space<semaphore_mem>>) src(%arg6 : memref<80x128xf32, #tpu.memory_space<vmem>>) dst(%dma_wait3A_37 : memref<10240x128xf32, #tpu.memory_space<vmem_shared>>)
        tpu.yield
      }) : () -> ()
      %scan3A_33 = arith.constant 0 : i32
      scf.yield %scan3A_33 : i32
    }
    %scan3A_20 = arith.constant 125 : i32
    %barrier3A_21 = arith.constant 0 : index
    tpu.barrier barrier_id(%barrier3A_21)
    %mul3A = arith.constant 640 : i32
    %mul3A_22 = arith.muli %arg1, %mul3A : i32
    %multiple_of3A = tpu.assume_multiple %mul3A_22, 8 : i32
    "tpu.region"() ({
      %run_scoped3A = tpu.sem_alloc : memref<!tpu.dma_semaphore, #tpu.memory_space<semaphore_mem>>
      %dma_start3A = arith.constant 0 : i32
      %dma_start3A_23 = tpu.memref_slice %arg4[%arg0, %multiple_of3A, %dma_start3A] : memref<2x10240x128xf32, #tpu.memory_space<hbm>> -> memref<1x640x128xf32, #tpu.memory_space<hbm>>
      %dma_start3A_24 = tpu.memref_squeeze %dma_start3A_23 : memref<1x640x128xf32, #tpu.memory_space<hbm>> -> memref<640x128xf32, #tpu.memory_space<hbm>>
      %dma_start3A_25 = arith.constant 0 : i32
      %dma_start3A_26 = tpu.memref_slice %arg8[%multiple_of3A, %dma_start3A_25] : memref<10240x128xf32, #tpu.memory_space<vmem_shared>> -> memref<640x128xf32, #tpu.memory_space<vmem_shared>>
      tpu.enqueue_dma source(%dma_start3A_26 : memref<640x128xf32, #tpu.memory_space<vmem_shared>>) target(%dma_start3A_24 : memref<640x128xf32, #tpu.memory_space<hbm>>) target_semaphore(%run_scoped3A : memref<!tpu.dma_semaphore, #tpu.memory_space<semaphore_mem>>)
      %dma_wait3A = arith.constant 0 : i32
      %dma_wait3A_27 = tpu.memref_slice %arg4[%arg0, %multiple_of3A, %dma_wait3A] : memref<2x10240x128xf32, #tpu.memory_space<hbm>> -> memref<1x640x128xf32, #tpu.memory_space<hbm>>
      %dma_wait3A_28 = tpu.memref_squeeze %dma_wait3A_27 : memref<1x640x128xf32, #tpu.memory_space<hbm>> -> memref<640x128xf32, #tpu.memory_space<hbm>>
      %dma_wait3A_29 = arith.constant 0 : i32
      %dma_wait3A_30 = tpu.memref_slice %arg8[%multiple_of3A, %dma_wait3A_29] : memref<10240x128xf32, #tpu.memory_space<vmem_shared>> -> memref<640x128xf32, #tpu.memory_space<vmem_shared>>
      tpu.wait_dma2 semaphore(%run_scoped3A : memref<!tpu.dma_semaphore, #tpu.memory_space<semaphore_mem>>) src(%dma_wait3A_30 : memref<640x128xf32, #tpu.memory_space<vmem_shared>>) dst(%dma_wait3A_28 : memref<640x128xf32, #tpu.memory_space<hbm>>)
      tpu.yield
    }) : () -> ()
    return
  }
}

#map = affine_map<(d0, d1) -> (0)>
#map1 = affine_map<(d0, d1) -> (0, 0)>
module attributes {stable_mosaic.version = 14 : i64} {
  func.func @_sc_gather(%arg0: i32, %arg1: i32, %arg2: memref<320000xi32, #tpu.memory_space<hbm>>, %arg3: memref<320000xi32, #tpu.memory_space<hbm>>, %arg4: memref<10000x128xf32, #tpu.memory_space<hbm>>, %arg5: memref<10000x256xf32, #tpu.memory_space<hbm>>, %arg6: memref<320000x128xf32, #tpu.memory_space<hbm>>, %arg7: memref<320000x256xf32, #tpu.memory_space<hbm>>, %arg8: memref<80xi32, #tpu.memory_space<vmem>>, %arg9: memref<80xi32, #tpu.memory_space<vmem>>, %arg10: memref<80x128xf32, #tpu.memory_space<vmem>>, %arg11: memref<80x256xf32, #tpu.memory_space<vmem>>, %arg12: memref<!tpu.dma_semaphore, #tpu.memory_space<semaphore_mem>>, %arg13: memref<!tpu.dma_semaphore, #tpu.memory_space<semaphore_mem>>) attributes {dimension_semantics = [#tpu.dimension_semantics<core_parallel>, #tpu.dimension_semantics<subcore_parallel>], iteration_bounds = array<i64: 2, 16>, scalar_prefetch = 0 : i64, scratch_operands = 6 : i64, tpu.core_type = #tpu.core_type<sc_vector_subcore>, window_params = [{transform_indices = #map}, {transform_indices = #map}, {transform_indices = #map1}, {transform_indices = #map1}, {transform_indices = #map1}, {transform_indices = #map1}]} {
    %mul3A = arith.constant 2 : i32
    %mul3A_0 = arith.muli %arg1, %mul3A : i32
    %add3A = arith.addi %mul3A_0, %arg0 : i32
    %scan3A = arith.constant 0 : i32
    %scan3A_1 = arith.constant 0 : i32
    %scan3A_2 = arith.constant 125 : i32
    %scan3A_3 = arith.addi %scan3A_1, %scan3A_2 : i32
    %scan3A_4 = arith.constant 1 : i32
    %scan3A_5 = scf.for %scan3A_7 = %scan3A_1 to %scan3A_3 step %scan3A_4 iter_args(%scan3A_8 = %scan3A) -> (i32)  : i32 {
      %mul3A_9 = arith.constant 10000 : i32
      %mul3A_10 = arith.muli %add3A, %mul3A_9 : i32
      %mul3A_11 = arith.constant 80 : i32
      %mul3A_12 = arith.muli %scan3A_7, %mul3A_11 : i32
      %add3A_13 = arith.addi %mul3A_10, %mul3A_12 : i32
      %multiple_of3A = tpu.assume_multiple %add3A_13, 8 : i32
      "tpu.region"() ({
        %run_scoped3A = tpu.sem_alloc : memref<!tpu.dma_semaphore, #tpu.memory_space<semaphore_mem>>
        %dma_start3A_25 = tpu.memref_slice %arg2[%multiple_of3A] : memref<320000xi32, #tpu.memory_space<hbm>> -> memref<80xi32, #tpu.memory_space<hbm>>
        %dma_start3A_26 = tpu.memref_slice %arg2[%multiple_of3A] : memref<320000xi32, #tpu.memory_space<hbm>> -> memref<80xi32, #tpu.memory_space<hbm>>
        tpu.enqueue_dma source(%dma_start3A_26 : memref<80xi32, #tpu.memory_space<hbm>>) target(%arg8 : memref<80xi32, #tpu.memory_space<vmem>>) target_semaphore(%run_scoped3A : memref<!tpu.dma_semaphore, #tpu.memory_space<semaphore_mem>>)
        %dma_wait3A_27 = tpu.memref_slice %arg2[%multiple_of3A] : memref<320000xi32, #tpu.memory_space<hbm>> -> memref<80xi32, #tpu.memory_space<hbm>>
        %dma_wait3A_28 = tpu.memref_slice %arg2[%multiple_of3A] : memref<320000xi32, #tpu.memory_space<hbm>> -> memref<80xi32, #tpu.memory_space<hbm>>
        tpu.wait_dma2 semaphore(%run_scoped3A : memref<!tpu.dma_semaphore, #tpu.memory_space<semaphore_mem>>) src(%dma_wait3A_28 : memref<80xi32, #tpu.memory_space<hbm>>) dst(%arg8 : memref<80xi32, #tpu.memory_space<vmem>>)
        tpu.yield
      }) : () -> ()
      "tpu.region"() ({
        %run_scoped3A = tpu.sem_alloc : memref<!tpu.dma_semaphore, #tpu.memory_space<semaphore_mem>>
        %dma_start3A_25 = tpu.memref_slice %arg3[%multiple_of3A] : memref<320000xi32, #tpu.memory_space<hbm>> -> memref<80xi32, #tpu.memory_space<hbm>>
        %dma_start3A_26 = tpu.memref_slice %arg3[%multiple_of3A] : memref<320000xi32, #tpu.memory_space<hbm>> -> memref<80xi32, #tpu.memory_space<hbm>>
        tpu.enqueue_dma source(%dma_start3A_26 : memref<80xi32, #tpu.memory_space<hbm>>) target(%arg9 : memref<80xi32, #tpu.memory_space<vmem>>) target_semaphore(%run_scoped3A : memref<!tpu.dma_semaphore, #tpu.memory_space<semaphore_mem>>)
        %dma_wait3A_27 = tpu.memref_slice %arg3[%multiple_of3A] : memref<320000xi32, #tpu.memory_space<hbm>> -> memref<80xi32, #tpu.memory_space<hbm>>
        %dma_wait3A_28 = tpu.memref_slice %arg3[%multiple_of3A] : memref<320000xi32, #tpu.memory_space<hbm>> -> memref<80xi32, #tpu.memory_space<hbm>>
        tpu.wait_dma2 semaphore(%run_scoped3A : memref<!tpu.dma_semaphore, #tpu.memory_space<semaphore_mem>>) src(%dma_wait3A_28 : memref<80xi32, #tpu.memory_space<hbm>>) dst(%arg9 : memref<80xi32, #tpu.memory_space<vmem>>)
        tpu.yield
      }) : () -> ()
      %dma_start3A = arith.constant 0 : i32
      %dma_start3A_14 = arith.constant 0 : i32
      %dma_start3A_15 = tpu.memref_slice %arg4[%dma_start3A, %dma_start3A_14] : memref<10000x128xf32, #tpu.memory_space<hbm>> -> memref<10000x128xf32, #tpu.memory_space<hbm>>
      tpu.enqueue_indirect_dma source(%dma_start3A_15 : memref<10000x128xf32, #tpu.memory_space<hbm>>) target(%arg10 : memref<80x128xf32, #tpu.memory_space<vmem>>) offsets(%arg9 : memref<80xi32, #tpu.memory_space<vmem>>) semaphore(%arg12 : memref<!tpu.dma_semaphore, #tpu.memory_space<semaphore_mem>>)
      %dma_start3A_16 = arith.constant 0 : i32
      %dma_start3A_17 = arith.constant 0 : i32
      %dma_start3A_18 = tpu.memref_slice %arg5[%dma_start3A_16, %dma_start3A_17] : memref<10000x256xf32, #tpu.memory_space<hbm>> -> memref<10000x256xf32, #tpu.memory_space<hbm>>
      tpu.enqueue_indirect_dma source(%dma_start3A_18 : memref<10000x256xf32, #tpu.memory_space<hbm>>) target(%arg11 : memref<80x256xf32, #tpu.memory_space<vmem>>) offsets(%arg8 : memref<80xi32, #tpu.memory_space<vmem>>) semaphore(%arg13 : memref<!tpu.dma_semaphore, #tpu.memory_space<semaphore_mem>>)
      %dma_wait3A = arith.constant 0 : i32
      %dma_wait3A_19 = arith.constant 0 : i32
      %dma_wait3A_20 = tpu.memref_slice %arg4[%dma_wait3A, %dma_wait3A_19] : memref<10000x128xf32, #tpu.memory_space<hbm>> -> memref<10000x128xf32, #tpu.memory_space<hbm>>
      tpu.wait_indirect_dma semaphore(%arg12 : memref<!tpu.dma_semaphore, #tpu.memory_space<semaphore_mem>>) src(%dma_wait3A_20 : memref<10000x128xf32, #tpu.memory_space<hbm>>) dst(%arg10 : memref<80x128xf32, #tpu.memory_space<vmem>>)
      %dma_wait3A_21 = arith.constant 0 : i32
      %dma_wait3A_22 = arith.constant 0 : i32
      %dma_wait3A_23 = tpu.memref_slice %arg5[%dma_wait3A_21, %dma_wait3A_22] : memref<10000x256xf32, #tpu.memory_space<hbm>> -> memref<10000x256xf32, #tpu.memory_space<hbm>>
      tpu.wait_indirect_dma semaphore(%arg13 : memref<!tpu.dma_semaphore, #tpu.memory_space<semaphore_mem>>) src(%dma_wait3A_23 : memref<10000x256xf32, #tpu.memory_space<hbm>>) dst(%arg11 : memref<80x256xf32, #tpu.memory_space<vmem>>)
      "tpu.region"() ({
        %run_scoped3A = tpu.sem_alloc : memref<!tpu.dma_semaphore, #tpu.memory_space<semaphore_mem>>
        %dma_start3A_25 = arith.constant 0 : i32
        %dma_start3A_26 = tpu.memref_slice %arg6[%multiple_of3A, %dma_start3A_25] : memref<320000x128xf32, #tpu.memory_space<hbm>> -> memref<80x128xf32, #tpu.memory_space<hbm>>
        %dma_start3A_27 = arith.constant 0 : i32
        %dma_start3A_28 = tpu.memref_slice %arg6[%multiple_of3A, %dma_start3A_27] : memref<320000x128xf32, #tpu.memory_space<hbm>> -> memref<80x128xf32, #tpu.memory_space<hbm>>
        tpu.enqueue_dma source(%arg10 : memref<80x128xf32, #tpu.memory_space<vmem>>) target(%dma_start3A_28 : memref<80x128xf32, #tpu.memory_space<hbm>>) target_semaphore(%run_scoped3A : memref<!tpu.dma_semaphore, #tpu.memory_space<semaphore_mem>>)
        %dma_wait3A_29 = arith.constant 0 : i32
        %dma_wait3A_30 = tpu.memref_slice %arg6[%multiple_of3A, %dma_wait3A_29] : memref<320000x128xf32, #tpu.memory_space<hbm>> -> memref<80x128xf32, #tpu.memory_space<hbm>>
        %dma_wait3A_31 = arith.constant 0 : i32
        %dma_wait3A_32 = tpu.memref_slice %arg6[%multiple_of3A, %dma_wait3A_31] : memref<320000x128xf32, #tpu.memory_space<hbm>> -> memref<80x128xf32, #tpu.memory_space<hbm>>
        tpu.wait_dma2 semaphore(%run_scoped3A : memref<!tpu.dma_semaphore, #tpu.memory_space<semaphore_mem>>) src(%arg10 : memref<80x128xf32, #tpu.memory_space<vmem>>) dst(%dma_wait3A_32 : memref<80x128xf32, #tpu.memory_space<hbm>>)
        tpu.yield
      }) : () -> ()
      "tpu.region"() ({
        %run_scoped3A = tpu.sem_alloc : memref<!tpu.dma_semaphore, #tpu.memory_space<semaphore_mem>>
        %dma_start3A_25 = arith.constant 0 : i32
        %dma_start3A_26 = tpu.memref_slice %arg7[%multiple_of3A, %dma_start3A_25] : memref<320000x256xf32, #tpu.memory_space<hbm>> -> memref<80x256xf32, #tpu.memory_space<hbm>>
        %dma_start3A_27 = arith.constant 0 : i32
        %dma_start3A_28 = tpu.memref_slice %arg7[%multiple_of3A, %dma_start3A_27] : memref<320000x256xf32, #tpu.memory_space<hbm>> -> memref<80x256xf32, #tpu.memory_space<hbm>>
        tpu.enqueue_dma source(%arg11 : memref<80x256xf32, #tpu.memory_space<vmem>>) target(%dma_start3A_28 : memref<80x256xf32, #tpu.memory_space<hbm>>) target_semaphore(%run_scoped3A : memref<!tpu.dma_semaphore, #tpu.memory_space<semaphore_mem>>)
        %dma_wait3A_29 = arith.constant 0 : i32
        %dma_wait3A_30 = tpu.memref_slice %arg7[%multiple_of3A, %dma_wait3A_29] : memref<320000x256xf32, #tpu.memory_space<hbm>> -> memref<80x256xf32, #tpu.memory_space<hbm>>
        %dma_wait3A_31 = arith.constant 0 : i32
        %dma_wait3A_32 = tpu.memref_slice %arg7[%multiple_of3A, %dma_wait3A_31] : memref<320000x256xf32, #tpu.memory_space<hbm>> -> memref<80x256xf32, #tpu.memory_space<hbm>>
        tpu.wait_dma2 semaphore(%run_scoped3A : memref<!tpu.dma_semaphore, #tpu.memory_space<semaphore_mem>>) src(%arg11 : memref<80x256xf32, #tpu.memory_space<vmem>>) dst(%dma_wait3A_32 : memref<80x256xf32, #tpu.memory_space<hbm>>)
        tpu.yield
      }) : () -> ()
      %scan3A_24 = arith.constant 0 : i32
      scf.yield %scan3A_24 : i32
    }
    %scan3A_6 = arith.constant 125 : i32
    return
  }
}

#map = affine_map<(d0, d1) -> (0)>
#map1 = affine_map<(d0, d1) -> (0, 0)>
module attributes {stable_mosaic.version = 14 : i64} {
  func.func @_sc_scatter_w(%arg0: i32, %arg1: i32, %arg2: memref<2560000xi32, #tpu.memory_space<hbm>>, %arg3: memref<2560000xf32, #tpu.memory_space<hbm>>, %arg4: memref<81920xf32, #tpu.memory_space<hbm>>, %arg5: memref<2x81920xf32, #tpu.memory_space<hbm>>, %arg6: memref<640xi32, #tpu.memory_space<vmem>>, %arg7: memref<640xf32, #tpu.memory_space<vmem>>, %arg8: memref<81920xf32, #tpu.memory_space<vmem_shared>>) attributes {dimension_semantics = [#tpu.dimension_semantics<core_parallel>, #tpu.dimension_semantics<subcore_parallel>], iteration_bounds = array<i64: 2, 16>, scalar_prefetch = 0 : i64, scratch_operands = 3 : i64, tpu.core_type = #tpu.core_type<sc_vector_subcore>, window_params = [{transform_indices = #map}, {transform_indices = #map}, {transform_indices = #map}, {transform_indices = #map1}]} {
    %mul3A = arith.constant 5120 : i32
    %mul3A_0 = arith.muli %arg1, %mul3A : i32
    %multiple_of3A = tpu.assume_multiple %mul3A_0, 8 : i32
    "tpu.region"() ({
      %run_scoped3A = tpu.sem_alloc : memref<!tpu.dma_semaphore, #tpu.memory_space<semaphore_mem>>
      %dma_start3A = tpu.memref_slice %arg8[%multiple_of3A] : memref<81920xf32, #tpu.memory_space<vmem_shared>> -> memref<5120xf32, #tpu.memory_space<vmem_shared>>
      %dma_start3A_8 = tpu.memref_slice %arg4[%multiple_of3A] : memref<81920xf32, #tpu.memory_space<hbm>> -> memref<5120xf32, #tpu.memory_space<hbm>>
      tpu.enqueue_dma source(%dma_start3A_8 : memref<5120xf32, #tpu.memory_space<hbm>>) target(%dma_start3A : memref<5120xf32, #tpu.memory_space<vmem_shared>>) target_semaphore(%run_scoped3A : memref<!tpu.dma_semaphore, #tpu.memory_space<semaphore_mem>>)
      %dma_wait3A = tpu.memref_slice %arg8[%multiple_of3A] : memref<81920xf32, #tpu.memory_space<vmem_shared>> -> memref<5120xf32, #tpu.memory_space<vmem_shared>>
      %dma_wait3A_9 = tpu.memref_slice %arg4[%multiple_of3A] : memref<81920xf32, #tpu.memory_space<hbm>> -> memref<5120xf32, #tpu.memory_space<hbm>>
      tpu.wait_dma2 semaphore(%run_scoped3A : memref<!tpu.dma_semaphore, #tpu.memory_space<semaphore_mem>>) src(%dma_wait3A_9 : memref<5120xf32, #tpu.memory_space<hbm>>) dst(%dma_wait3A : memref<5120xf32, #tpu.memory_space<vmem_shared>>)
      tpu.yield
    }) : () -> ()
    %barrier3A = arith.constant 0 : index
    tpu.barrier barrier_id(%barrier3A)
    %scan3A = arith.constant 0 : i32
    %scan3A_1 = arith.constant 0 : i32
    %scan3A_2 = arith.constant 125 : i32
    %scan3A_3 = arith.addi %scan3A_1, %scan3A_2 : i32
    %scan3A_4 = arith.constant 1 : i32
    %scan3A_5 = scf.for %scan3A_8 = %scan3A_1 to %scan3A_3 step %scan3A_4 iter_args(%scan3A_9 = %scan3A) -> (i32)  : i32 {
      %mul3A_10 = arith.constant 160000 : i32
      %mul3A_11 = arith.muli %arg0, %mul3A_10 : i32
      %mul3A_12 = arith.constant 10000 : i32
      %mul3A_13 = arith.muli %arg1, %mul3A_12 : i32
      %add3A = arith.addi %mul3A_11, %mul3A_13 : i32
      %mul3A_14 = arith.constant 80 : i32
      %mul3A_15 = arith.muli %scan3A_8, %mul3A_14 : i32
      %add3A_16 = arith.addi %add3A, %mul3A_15 : i32
      %mul3A_17 = arith.constant 8 : i32
      %mul3A_18 = arith.muli %add3A_16, %mul3A_17 : i32
      %multiple_of3A_19 = tpu.assume_multiple %mul3A_18, 8 : i32
      "tpu.region"() ({
        %run_scoped3A = tpu.sem_alloc : memref<!tpu.dma_semaphore, #tpu.memory_space<semaphore_mem>>
        %dma_start3A = tpu.memref_slice %arg2[%multiple_of3A_19] : memref<2560000xi32, #tpu.memory_space<hbm>> -> memref<640xi32, #tpu.memory_space<hbm>>
        %dma_start3A_21 = tpu.memref_slice %arg2[%multiple_of3A_19] : memref<2560000xi32, #tpu.memory_space<hbm>> -> memref<640xi32, #tpu.memory_space<hbm>>
        tpu.enqueue_dma source(%dma_start3A_21 : memref<640xi32, #tpu.memory_space<hbm>>) target(%arg6 : memref<640xi32, #tpu.memory_space<vmem>>) target_semaphore(%run_scoped3A : memref<!tpu.dma_semaphore, #tpu.memory_space<semaphore_mem>>)
        %dma_wait3A = tpu.memref_slice %arg2[%multiple_of3A_19] : memref<2560000xi32, #tpu.memory_space<hbm>> -> memref<640xi32, #tpu.memory_space<hbm>>
        %dma_wait3A_22 = tpu.memref_slice %arg2[%multiple_of3A_19] : memref<2560000xi32, #tpu.memory_space<hbm>> -> memref<640xi32, #tpu.memory_space<hbm>>
        tpu.wait_dma2 semaphore(%run_scoped3A : memref<!tpu.dma_semaphore, #tpu.memory_space<semaphore_mem>>) src(%dma_wait3A_22 : memref<640xi32, #tpu.memory_space<hbm>>) dst(%arg6 : memref<640xi32, #tpu.memory_space<vmem>>)
        tpu.yield
      }) : () -> ()
      "tpu.region"() ({
        %run_scoped3A = tpu.sem_alloc : memref<!tpu.dma_semaphore, #tpu.memory_space<semaphore_mem>>
        %dma_start3A = tpu.memref_slice %arg3[%multiple_of3A_19] : memref<2560000xf32, #tpu.memory_space<hbm>> -> memref<640xf32, #tpu.memory_space<hbm>>
        %dma_start3A_21 = tpu.memref_slice %arg3[%multiple_of3A_19] : memref<2560000xf32, #tpu.memory_space<hbm>> -> memref<640xf32, #tpu.memory_space<hbm>>
        tpu.enqueue_dma source(%dma_start3A_21 : memref<640xf32, #tpu.memory_space<hbm>>) target(%arg7 : memref<640xf32, #tpu.memory_space<vmem>>) target_semaphore(%run_scoped3A : memref<!tpu.dma_semaphore, #tpu.memory_space<semaphore_mem>>)
        %dma_wait3A = tpu.memref_slice %arg3[%multiple_of3A_19] : memref<2560000xf32, #tpu.memory_space<hbm>> -> memref<640xf32, #tpu.memory_space<hbm>>
        %dma_wait3A_22 = tpu.memref_slice %arg3[%multiple_of3A_19] : memref<2560000xf32, #tpu.memory_space<hbm>> -> memref<640xf32, #tpu.memory_space<hbm>>
        tpu.wait_dma2 semaphore(%run_scoped3A : memref<!tpu.dma_semaphore, #tpu.memory_space<semaphore_mem>>) src(%dma_wait3A_22 : memref<640xf32, #tpu.memory_space<hbm>>) dst(%arg7 : memref<640xf32, #tpu.memory_space<vmem>>)
        tpu.yield
      }) : () -> ()
      "tpu.region"() ({
        %run_scoped3A = tpu.sem_alloc : memref<!tpu.dma_semaphore, #tpu.memory_space<semaphore_mem>>
        %dma_start3A = arith.constant 0 : i32
        %dma_start3A_21 = tpu.memref_slice %arg8[%dma_start3A] : memref<81920xf32, #tpu.memory_space<vmem_shared>> -> memref<81920xf32, #tpu.memory_space<vmem_shared>>
        tpu.enqueue_indirect_dma source(%arg7 : memref<640xf32, #tpu.memory_space<vmem>>) target(%dma_start3A_21 : memref<81920xf32, #tpu.memory_space<vmem_shared>>) offsets(%arg6 : memref<640xi32, #tpu.memory_space<vmem>>) semaphore(%run_scoped3A : memref<!tpu.dma_semaphore, #tpu.memory_space<semaphore_mem>>) {add = true}
        %dma_wait3A = arith.constant 0 : i32
        %dma_wait3A_22 = tpu.memref_slice %arg8[%dma_wait3A] : memref<81920xf32, #tpu.memory_space<vmem_shared>> -> memref<81920xf32, #tpu.memory_space<vmem_shared>>
        tpu.wait_indirect_dma semaphore(%run_scoped3A : memref<!tpu.dma_semaphore, #tpu.memory_space<semaphore_mem>>) src(%arg7 : memref<640xf32, #tpu.memory_space<vmem>>) dst(%dma_wait3A_22 : memref<81920xf32, #tpu.memory_space<vmem_shared>>)
        tpu.yield
      }) : () -> ()
      %scan3A_20 = arith.constant 0 : i32
      scf.yield %scan3A_20 : i32
    }
    %scan3A_6 = arith.constant 125 : i32
    %barrier3A_7 = arith.constant 0 : index
    tpu.barrier barrier_id(%barrier3A_7)
    "tpu.region"() ({
      %run_scoped3A = tpu.sem_alloc : memref<!tpu.dma_semaphore, #tpu.memory_space<semaphore_mem>>
      %dma_start3A = tpu.memref_slice %arg5[%arg0, %multiple_of3A] : memref<2x81920xf32, #tpu.memory_space<hbm>> -> memref<1x5120xf32, #tpu.memory_space<hbm>>
      %dma_start3A_8 = tpu.memref_squeeze %dma_start3A : memref<1x5120xf32, #tpu.memory_space<hbm>> -> memref<5120xf32, #tpu.memory_space<hbm>>
      %dma_start3A_9 = tpu.memref_slice %arg8[%multiple_of3A] : memref<81920xf32, #tpu.memory_space<vmem_shared>> -> memref<5120xf32, #tpu.memory_space<vmem_shared>>
      tpu.enqueue_dma source(%dma_start3A_9 : memref<5120xf32, #tpu.memory_space<vmem_shared>>) target(%dma_start3A_8 : memref<5120xf32, #tpu.memory_space<hbm>>) target_semaphore(%run_scoped3A : memref<!tpu.dma_semaphore, #tpu.memory_space<semaphore_mem>>)
      %dma_wait3A = tpu.memref_slice %arg5[%arg0, %multiple_of3A] : memref<2x81920xf32, #tpu.memory_space<hbm>> -> memref<1x5120xf32, #tpu.memory_space<hbm>>
      %dma_wait3A_10 = tpu.memref_squeeze %dma_wait3A : memref<1x5120xf32, #tpu.memory_space<hbm>> -> memref<5120xf32, #tpu.memory_space<hbm>>
      %dma_wait3A_11 = tpu.memref_slice %arg8[%multiple_of3A] : memref<81920xf32, #tpu.memory_space<vmem_shared>> -> memref<5120xf32, #tpu.memory_space<vmem_shared>>
      tpu.wait_dma2 semaphore(%run_scoped3A : memref<!tpu.dma_semaphore, #tpu.memory_space<semaphore_mem>>) src(%dma_wait3A_11 : memref<5120xf32, #tpu.memory_space<vmem_shared>>) dst(%dma_wait3A_10 : memref<5120xf32, #tpu.memory_space<hbm>>)
      tpu.yield
    }) : () -> ()
    return
  }
}

module attributes {stable_mosaic.version = 14 : i64} {
  func.func @_node_tables_body(%arg0: i32, %arg1: memref<1000x128xf32, #tpu.memory_space<vmem>>, %arg2: memref<128x512xf32, #tpu.memory_space<vmem>>, %arg3: memref<1x512xf32, #tpu.memory_space<vmem>>, %arg4: memref<1000x128xf32, #tpu.memory_space<vmem>>, %arg5: memref<1000x256xf32, #tpu.memory_space<vmem>>, %arg6: memref<1000x128xf32, #tpu.memory_space<vmem>>) attributes {dimension_semantics = [#tpu.dimension_semantics<arbitrary>], iteration_bounds = array<i64: 10>, scalar_prefetch = 0 : i64, scratch_operands = 0 : i64, tpu.core_type = #tpu.core_type<tc>, window_params = [{transform_indices = @transform_0, window_bounds = array<i64: 1000, 128>}, {pipeline_mode = #tpu.pipeline_mode<synchronous>, transform_indices = @transform_1, window_bounds = array<i64: 128, 512>}, {pipeline_mode = #tpu.pipeline_mode<synchronous>, transform_indices = @transform_2, window_bounds = array<i64: 1, 512>}, {transform_indices = @transform_3, window_bounds = array<i64: 1000, 128>}, {transform_indices = @transform_4, window_bounds = array<i64: 1000, 256>}, {transform_indices = @transform_5, window_bounds = array<i64: 1000, 128>}]} {
    %get3A = arith.constant 0 : index
    %get3A_0 = arith.constant 0 : index
    %get3A_1 = vector.load %arg1[%get3A, %get3A_0] : memref<1000x128xf32, #tpu.memory_space<vmem>>, vector<1000x128xf32>
    %get3A_2 = arith.constant 0 : index
    %get3A_3 = arith.constant 0 : index
    %get3A_4 = vector.load %arg2[%get3A_2, %get3A_3] : memref<128x512xf32, #tpu.memory_space<vmem>>, vector<128x512xf32>
    %dot_general3A = arith.constant dense<0.000000e+00> : vector<1000x512xf32>
    %dot_general3A_5 = tpu.matmul %get3A_1, %get3A_4, %dot_general3A {dimension_numbers = #tpu.dot_dimension_numbers<[1], [0], [0], [1], [0, 0, 1, 1], [], []>, transpose_lhs_hint = false} : vector<1000x128xf32>, vector<128x512xf32>, vector<1000x512xf32> -> vector<1000x512xf32>
    %get3A_6 = arith.constant 0 : index
    %get3A_7 = arith.constant 0 : index
    %get3A_8 = vector.load %arg3[%get3A_6, %get3A_7] : memref<1x512xf32, #tpu.memory_space<vmem>>, vector<1x512xf32>
    %add3A = vector.broadcast %get3A_8 : vector<1x512xf32> to vector<1000x512xf32>
    %add3A_9 = arith.addf %dot_general3A_5, %add3A : vector<1000x512xf32>
    %slice3A = vector.extract_strided_slice %add3A_9 {offsets = [0, 0], sizes = [1000, 128], strides = [1, 1]} : vector<1000x512xf32> to vector<1000x128xf32>
    %swap3A = arith.constant 0 : index
    %swap3A_10 = arith.constant 0 : index
    %swap3A_11 = vector.load %arg4[%swap3A, %swap3A_10] : memref<1000x128xf32, #tpu.memory_space<vmem>>, vector<1000x128xf32>
    tpu.vector_store %arg4[%swap3A, %swap3A_10], %slice3A {strides = array<i32>} : memref<1000x128xf32, #tpu.memory_space<vmem>>, vector<1000x128xf32>,
    %slice3A_12 = vector.extract_strided_slice %add3A_9 {offsets = [0, 128], sizes = [1000, 256], strides = [1, 1]} : vector<1000x512xf32> to vector<1000x256xf32>
    %swap3A_13 = arith.constant 0 : index
    %swap3A_14 = arith.constant 0 : index
    %swap3A_15 = vector.load %arg5[%swap3A_13, %swap3A_14] : memref<1000x256xf32, #tpu.memory_space<vmem>>, vector<1000x256xf32>
    tpu.vector_store %arg5[%swap3A_13, %swap3A_14], %slice3A_12 {strides = array<i32>} : memref<1000x256xf32, #tpu.memory_space<vmem>>, vector<1000x256xf32>,
    %slice3A_16 = vector.extract_strided_slice %add3A_9 {offsets = [0, 384], sizes = [1000, 128], strides = [1, 1]} : vector<1000x512xf32> to vector<1000x128xf32>
    %swap3A_17 = arith.constant 0 : index
    %swap3A_18 = arith.constant 0 : index
    %swap3A_19 = vector.load %arg6[%swap3A_17, %swap3A_18] : memref<1000x128xf32, #tpu.memory_space<vmem>>, vector<1000x128xf32>
    tpu.vector_store %arg6[%swap3A_17, %swap3A_18], %slice3A_16 {strides = array<i32>} : memref<1000x128xf32, #tpu.memory_space<vmem>>, vector<1000x128xf32>,
    return
  }
  func.func @transform_0(%arg0: i32) -> (i32, i32) {
    %c0_i32 = arith.constant 0 : i32
    %c0_i32_0 = arith.constant 0 : i32
    return %arg0, %c0_i32 : i32, i32
  }
  func.func @transform_1(%arg0: i32) -> (i32, i32) {
    %c0_i32 = arith.constant 0 : i32
    %c0_i32_0 = arith.constant 0 : i32
    %c0_i32_1 = arith.constant 0 : i32
    return %c0_i32, %c0_i32_0 : i32, i32
  }
  func.func @transform_2(%arg0: i32) -> (i32, i32) {
    %c0_i32 = arith.constant 0 : i32
    %c0_i32_0 = arith.constant 0 : i32
    %c0_i32_1 = arith.constant 0 : i32
    return %c0_i32, %c0_i32_0 : i32, i32
  }
  func.func @transform_3(%arg0: i32) -> (i32, i32) {
    %c0_i32 = arith.constant 0 : i32
    %c0_i32_0 = arith.constant 0 : i32
    return %arg0, %c0_i32 : i32, i32
  }
  func.func @transform_4(%arg0: i32) -> (i32, i32) {
    %c0_i32 = arith.constant 0 : i32
    %c0_i32_0 = arith.constant 0 : i32
    return %arg0, %c0_i32 : i32, i32
  }
  func.func @transform_5(%arg0: i32) -> (i32, i32) {
    %c0_i32 = arith.constant 0 : i32
    %c0_i32_0 = arith.constant 0 : i32
    return %arg0, %c0_i32 : i32, i32
  }
}

module attributes {stable_mosaic.version = 14 : i64} {
  func.func @_edge_body(%arg0: i32, %arg1: memref<2000x128xf32, #tpu.memory_space<vmem>>, %arg2: memref<2000x128xf32, #tpu.memory_space<vmem>>, %arg3: memref<2000x256xf32, #tpu.memory_space<vmem>>, %arg4: memref<1x1x2000xi32, #tpu.memory_space<vmem>>, %arg5: memref<128x256xf32, #tpu.memory_space<vmem>>, %arg6: memref<1x256xf32, #tpu.memory_space<vmem>>, %arg7: memref<128x8xf32, #tpu.memory_space<vmem>>, %arg8: memref<8x128xf32, #tpu.memory_space<vmem>>, %arg9: memref<2000x128xf32, #tpu.memory_space<vmem>>, %arg10: memref<2000x8xf32, #tpu.memory_space<vmem>>, %arg11: memref<2000x8xi32, #tpu.memory_space<vmem>>) attributes {dimension_semantics = [#tpu.dimension_semantics<arbitrary>], iteration_bounds = array<i64: 160>, scalar_prefetch = 0 : i64, scratch_operands = 0 : i64, tpu.core_type = #tpu.core_type<tc>, window_params = [{transform_indices = @transform_0, window_bounds = array<i64: 2000, 128>}, {transform_indices = @transform_1, window_bounds = array<i64: 2000, 128>}, {transform_indices = @transform_2, window_bounds = array<i64: 2000, 256>}, {transform_indices = @transform_3, window_bounds = array<i64: 1, 1, 2000>}, {pipeline_mode = #tpu.pipeline_mode<synchronous>, transform_indices = @transform_4, window_bounds = array<i64: 128, 256>}, {pipeline_mode = #tpu.pipeline_mode<synchronous>, transform_indices = @transform_5, window_bounds = array<i64: 1, 256>}, {pipeline_mode = #tpu.pipeline_mode<synchronous>, transform_indices = @transform_6, window_bounds = array<i64: 128, 8>}, {pipeline_mode = #tpu.pipeline_mode<synchronous>, transform_indices = @transform_7, window_bounds = array<i64: 8, 128>}, {transform_indices = @transform_8, window_bounds = array<i64: 2000, 128>}, {transform_indices = @transform_9, window_bounds = array<i64: 2000, 8>}, {transform_indices = @transform_10, window_bounds = array<i64: 2000, 8>}]} {
    %get3A = arith.constant 0 : index
    %get3A_0 = arith.constant 0 : index
    %get3A_1 = vector.load %arg1[%get3A, %get3A_0] : memref<2000x128xf32, #tpu.memory_space<vmem>>, vector<2000x128xf32>
    %get3A_2 = arith.constant 0 : index
    %get3A_3 = arith.constant 0 : index
    %get3A_4 = vector.load %arg5[%get3A_2, %get3A_3] : memref<128x256xf32, #tpu.memory_space<vmem>>, vector<128x256xf32>
    %dot_general3A = arith.constant dense<0.000000e+00> : vector<2000x256xf32>
    %dot_general3A_5 = tpu.matmul %get3A_1, %get3A_4, %dot_general3A {dimension_numbers = #tpu.dot_dimension_numbers<[1], [0], [0], [1], [0, 0, 1, 1], [], []>, transpose_lhs_hint = false} : vector<2000x128xf32>, vector<128x256xf32>, vector<2000x256xf32> -> vector<2000x256xf32>
    %get3A_6 = arith.constant 0 : index
    %get3A_7 = arith.constant 0 : index
    %get3A_8 = vector.load %arg6[%get3A_6, %get3A_7] : memref<1x256xf32, #tpu.memory_space<vmem>>, vector<1x256xf32>
    %add3A = vector.broadcast %get3A_8 : vector<1x256xf32> to vector<2000x256xf32>
    %add3A_9 = arith.addf %dot_general3A_5, %add3A : vector<2000x256xf32>
    %get3A_10 = arith.constant 0 : index
    %get3A_11 = arith.constant 0 : index
    %get3A_12 = vector.load %arg3[%get3A_10, %get3A_11] : memref<2000x256xf32, #tpu.memory_space<vmem>>, vector<2000x256xf32>
    %add3A_13 = arith.addf %add3A_9, %get3A_12 : vector<2000x256xf32>
    %slice3A = vector.extract_strided_slice %add3A_13 {offsets = [0, 0], sizes = [2000, 128], strides = [1, 1]} : vector<2000x256xf32> to vector<2000x128xf32>
    %slice3A_14 = vector.extract_strided_slice %add3A_13 {offsets = [0, 128], sizes = [2000, 128], strides = [1, 1]} : vector<2000x256xf32> to vector<2000x128xf32>
    %get3A_15 = arith.constant 0 : index
    %get3A_16 = arith.constant 0 : index
    %get3A_17 = vector.load %arg2[%get3A_15, %get3A_16] : memref<2000x128xf32, #tpu.memory_space<vmem>>, vector<2000x128xf32>
    %mul3A = arith.mulf %get3A_17, %slice3A : vector<2000x128xf32>
    %get3A_18 = arith.constant 0 : index
    %get3A_19 = arith.constant 0 : index
    %get3A_20 = vector.load %arg7[%get3A_18, %get3A_19] : memref<128x8xf32, #tpu.memory_space<vmem>>, vector<128x8xf32>
    %dot_general3A_21 = arith.constant dense<0.000000e+00> : vector<2000x8xf32>
    %dot_general3A_22 = tpu.matmul %mul3A, %get3A_20, %dot_general3A_21 {dimension_numbers = #tpu.dot_dimension_numbers<[1], [0], [0], [1], [0, 0, 1, 1], [], []>, transpose_lhs_hint = false} : vector<2000x128xf32>, vector<128x8xf32>, vector<2000x8xf32> -> vector<2000x8xf32>
    %mul3A_23 = arith.constant 2.500000e-01 : f32
    %mul3A_24 = vector.broadcast %mul3A_23 : f32 to vector<2000x8xf32>
    %mul3A_25 = arith.mulf %dot_general3A_22, %mul3A_24 : vector<2000x8xf32>
    %exp3A = math.exp %mul3A_25 : vector<2000x8xf32>
    %get3A_26 = arith.constant 0 : index
    %get3A_27 = arith.constant 0 : index
    %get3A_28 = vector.load %arg8[%get3A_26, %get3A_27] : memref<8x128xf32, #tpu.memory_space<vmem>>, vector<8x128xf32>
    %dot_general3A_29 = arith.constant dense<0.000000e+00> : vector<2000x128xf32>
    %dot_general3A_30 = tpu.matmul %exp3A, %get3A_28, %dot_general3A_29 {dimension_numbers = #tpu.dot_dimension_numbers<[1], [0], [0], [1], [0, 0, 1, 1], [], []>, transpose_lhs_hint = false} : vector<2000x8xf32>, vector<8x128xf32>, vector<2000x128xf32> -> vector<2000x128xf32>
    %mul3A_31 = arith.mulf %dot_general3A_30, %slice3A_14 : vector<2000x128xf32>
    %swap3A = arith.constant 0 : index
    %swap3A_32 = arith.constant 0 : index
    %swap3A_33 = vector.load %arg9[%swap3A, %swap3A_32] : memref<2000x128xf32, #tpu.memory_space<vmem>>, vector<2000x128xf32>
    tpu.vector_store %arg9[%swap3A, %swap3A_32], %mul3A_31 {strides = array<i32>} : memref<2000x128xf32, #tpu.memory_space<vmem>>, vector<2000x128xf32>,
    %swap3A_34 = arith.constant 0 : index
    %swap3A_35 = arith.constant 0 : index
    %swap3A_36 = vector.load %arg10[%swap3A_34, %swap3A_35] : memref<2000x8xf32, #tpu.memory_space<vmem>>, vector<2000x8xf32>
    tpu.vector_store %arg10[%swap3A_34, %swap3A_35], %exp3A {strides = array<i32>} : memref<2000x8xf32, #tpu.memory_space<vmem>>, vector<2000x8xf32>,
    %get3A_37 = arith.constant 0 : index
    %get3A_38 = arith.constant 0 : index
    %get3A_39 = arith.constant 0 : index
    %get3A_40 = vector.load %arg4[%get3A_37, %get3A_38, %get3A_39] : memref<1x1x2000xi32, #tpu.memory_space<vmem>>, vector<1x1x2000xi32>
    %get3A_41 = vector.shape_cast %get3A_40 : vector<1x1x2000xi32> to vector<1x2000xi32>
    %transpose3A = tpu.transpose %get3A_41, [1, 0] : vector<1x2000xi32> -> vector<2000x1xi32>
    %mul3A_42 = arith.constant 8 : i32
    %mul3A_43 = vector.broadcast %mul3A_42 : i32 to vector<2000x1xi32>
    %mul3A_44 = arith.muli %transpose3A, %mul3A_43 : vector<2000x1xi32>
    %iota3A = tpu.iota {dimensions = array<i32: 1>} : vector<2000x8xi32>
    %add3A_45 = vector.broadcast %mul3A_44 : vector<2000x1xi32> to vector<2000x8xi32>
    %add3A_46 = arith.addi %add3A_45, %iota3A : vector<2000x8xi32>
    %swap3A_47 = arith.constant 0 : index
    %swap3A_48 = arith.constant 0 : index
    %swap3A_49 = vector.load %arg11[%swap3A_47, %swap3A_48] : memref<2000x8xi32, #tpu.memory_space<vmem>>, vector<2000x8xi32>
    tpu.vector_store %arg11[%swap3A_47, %swap3A_48], %add3A_46 {strides = array<i32>} : memref<2000x8xi32, #tpu.memory_space<vmem>>, vector<2000x8xi32>,
    return
  }
  func.func @transform_0(%arg0: i32) -> (i32, i32) {
    %c0_i32 = arith.constant 0 : i32
    %c0_i32_0 = arith.constant 0 : i32
    return %arg0, %c0_i32 : i32, i32
  }
  func.func @transform_1(%arg0: i32) -> (i32, i32) {
    %c0_i32 = arith.constant 0 : i32
    %c0_i32_0 = arith.constant 0 : i32
    return %arg0, %c0_i32 : i32, i32
  }
  func.func @transform_2(%arg0: i32) -> (i32, i32) {
    %c0_i32 = arith.constant 0 : i32
    %c0_i32_0 = arith.constant 0 : i32
    return %arg0, %c0_i32 : i32, i32
  }
  func.func @transform_3(%arg0: i32) -> (i32, i32, i32) {
    %c0_i32 = arith.constant 0 : i32
    %c0_i32_0 = arith.constant 0 : i32
    %c0_i32_1 = arith.constant 0 : i32
    return %arg0, %c0_i32, %c0_i32_0 : i32, i32, i32
  }
  func.func @transform_4(%arg0: i32) -> (i32, i32) {
    %c0_i32 = arith.constant 0 : i32
    %c0_i32_0 = arith.constant 0 : i32
    %c0_i32_1 = arith.constant 0 : i32
    return %c0_i32, %c0_i32_0 : i32, i32
  }
  func.func @transform_5(%arg0: i32) -> (i32, i32) {
    %c0_i32 = arith.constant 0 : i32
    %c0_i32_0 = arith.constant 0 : i32
    %c0_i32_1 = arith.constant 0 : i32
    return %c0_i32, %c0_i32_0 : i32, i32
  }
  func.func @transform_6(%arg0: i32) -> (i32, i32) {
    %c0_i32 = arith.constant 0 : i32
    %c0_i32_0 = arith.constant 0 : i32
    %c0_i32_1 = arith.constant 0 : i32
    return %c0_i32, %c0_i32_0 : i32, i32
  }
  func.func @transform_7(%arg0: i32) -> (i32, i32) {
    %c0_i32 = arith.constant 0 : i32
    %c0_i32_0 = arith.constant 0 : i32
    %c0_i32_1 = arith.constant 0 : i32
    return %c0_i32, %c0_i32_0 : i32, i32
  }
  func.func @transform_8(%arg0: i32) -> (i32, i32) {
    %c0_i32 = arith.constant 0 : i32
    %c0_i32_0 = arith.constant 0 : i32
    return %arg0, %c0_i32 : i32, i32
  }
  func.func @transform_9(%arg0: i32) -> (i32, i32) {
    %c0_i32 = arith.constant 0 : i32
    %c0_i32_0 = arith.constant 0 : i32
    return %arg0, %c0_i32 : i32, i32
  }
  func.func @transform_10(%arg0: i32) -> (i32, i32) {
    %c0_i32 = arith.constant 0 : i32
    %c0_i32_0 = arith.constant 0 : i32
    return %arg0, %c0_i32 : i32, i32
  }
}

module attributes {stable_mosaic.version = 14 : i64} {
  func.func @_node_out_body(%arg0: i32, %arg1: memref<2x1000x128xf32, #tpu.memory_space<vmem>>, %arg2: memref<2x1000x8xf32, #tpu.memory_space<vmem>>, %arg3: memref<1000x128xf32, #tpu.memory_space<vmem>>, %arg4: memref<1000x128xf32, #tpu.memory_space<vmem>>, %arg5: memref<8x128xf32, #tpu.memory_space<vmem>>, %arg6: memref<128x256xf32, #tpu.memory_space<vmem>>, %arg7: memref<1x256xf32, #tpu.memory_space<vmem>>, %arg8: memref<256x128xf32, #tpu.memory_space<vmem>>, %arg9: memref<1x128xf32, #tpu.memory_space<vmem>>, %arg10: memref<1x128xf32, #tpu.memory_space<vmem>>, %arg11: memref<1x128xf32, #tpu.memory_space<vmem>>, %arg12: memref<1x128xf32, #tpu.memory_space<vmem>>, %arg13: memref<1x128xf32, #tpu.memory_space<vmem>>, %arg14: memref<1000x128xf32, #tpu.memory_space<vmem>>) attributes {dimension_semantics = [#tpu.dimension_semantics<arbitrary>], iteration_bounds = array<i64: 10>, scalar_prefetch = 0 : i64, scratch_operands = 0 : i64, tpu.core_type = #tpu.core_type<tc>, window_params = [{transform_indices = @transform_0, window_bounds = array<i64: 2, 1000, 128>}, {transform_indices = @transform_1, window_bounds = array<i64: 2, 1000, 8>}, {transform_indices = @transform_2, window_bounds = array<i64: 1000, 128>}, {transform_indices = @transform_3, window_bounds = array<i64: 1000, 128>}, {pipeline_mode = #tpu.pipeline_mode<synchronous>, transform_indices = @transform_4, window_bounds = array<i64: 8, 128>}, {pipeline_mode = #tpu.pipeline_mode<synchronous>, transform_indices = @transform_5, window_bounds = array<i64: 128, 256>}, {pipeline_mode = #tpu.pipeline_mode<synchronous>, transform_indices = @transform_6, window_bounds = array<i64: 1, 256>}, {pipeline_mode = #tpu.pipeline_mode<synchronous>, transform_indices = @transform_7, window_bounds = array<i64: 256, 128>}, {pipeline_mode = #tpu.pipeline_mode<synchronous>, transform_indices = @transform_8, window_bounds = array<i64: 1, 128>}, {pipeline_mode = #tpu.pipeline_mode<synchronous>, transform_indices = @transform_9, window_bounds = array<i64: 1, 128>}, {pipeline_mode = #tpu.pipeline_mode<synchronous>, transform_indices = @transform_10, window_bounds = array<i64: 1, 128>}, {pipeline_mode = #tpu.pipeline_mode<synchronous>, transform_indices = @transform_11, window_bounds = array<i64: 1, 128>}, {pipeline_mode = #tpu.pipeline_mode<synchronous>, transform_indices = @transform_12, window_bounds = array<i64: 1, 128>}, {transform_indices = @transform_13, window_bounds = array<i64: 1000, 128>}]} {
    %get3A = arith.constant 0 : index
    %get3A_0 = arith.constant 0 : index
    %get3A_1 = arith.constant 0 : index
    %get3A_2 = vector.load %arg1[%get3A, %get3A_0, %get3A_1] : memref<2x1000x128xf32, #tpu.memory_space<vmem>>, vector<1x1000x128xf32>
    %get3A_3 = vector.shape_cast %get3A_2 : vector<1x1000x128xf32> to vector<1000x128xf32>
    %get3A_4 = arith.constant 1 : index
    %get3A_5 = arith.constant 0 : index
    %get3A_6 = arith.constant 0 : index
    %get3A_7 = vector.load %arg1[%get3A_4, %get3A_5, %get3A_6] : memref<2x1000x128xf32, #tpu.memory_space<vmem>>, vector<1x1000x128xf32>
    %get3A_8 = vector.shape_cast %get3A_7 : vector<1x1000x128xf32> to vector<1000x128xf32>
    %add3A = arith.addf %get3A_3, %get3A_8 : vector<1000x128xf32>
    %get3A_9 = arith.constant 0 : index
    %get3A_10 = arith.constant 0 : index
    %get3A_11 = arith.constant 0 : index
    %get3A_12 = vector.load %arg2[%get3A_9, %get3A_10, %get3A_11] : memref<2x1000x8xf32, #tpu.memory_space<vmem>>, vector<1x1000x8xf32>
    %get3A_13 = vector.shape_cast %get3A_12 : vector<1x1000x8xf32> to vector<1000x8xf32>
    %get3A_14 = arith.constant 1 : index
    %get3A_15 = arith.constant 0 : index
    %get3A_16 = arith.constant 0 : index
    %get3A_17 = vector.load %arg2[%get3A_14, %get3A_15, %get3A_16] : memref<2x1000x8xf32, #tpu.memory_space<vmem>>, vector<1x1000x8xf32>
    %get3A_18 = vector.shape_cast %get3A_17 : vector<1x1000x8xf32> to vector<1000x8xf32>
    %add3A_19 = arith.addf %get3A_13, %get3A_18 : vector<1000x8xf32>
    %get3A_20 = arith.constant 0 : index
    %get3A_21 = arith.constant 0 : index
    %get3A_22 = vector.load %arg5[%get3A_20, %get3A_21] : memref<8x128xf32, #tpu.memory_space<vmem>>, vector<8x128xf32>
    %dot_general3A = arith.constant dense<0.000000e+00> : vector<1000x128xf32>
    %dot_general3A_23 = tpu.matmul %add3A_19, %get3A_22, %dot_general3A {dimension_numbers = #tpu.dot_dimension_numbers<[1], [0], [0], [1], [0, 0, 1, 1], [], []>, transpose_lhs_hint = false} : vector<1000x8xf32>, vector<8x128xf32>, vector<1000x128xf32> -> vector<1000x128xf32>
    %add3A_24 = arith.constant 1.000000e-16 : f32
    %add3A_25 = vector.broadcast %add3A_24 : f32 to vector<1000x128xf32>
    %add3A_26 = arith.addf %dot_general3A_23, %add3A_25 : vector<1000x128xf32>
    %div3A = arith.divf %add3A, %add3A_26 : vector<1000x128xf32>
    %get3A_27 = arith.constant 0 : index
    %get3A_28 = arith.constant 0 : index
    %get3A_29 = vector.load %arg3[%get3A_27, %get3A_28] : memref<1000x128xf32, #tpu.memory_space<vmem>>, vector<1000x128xf32>
    %add3A_30 = arith.addf %div3A, %get3A_29 : vector<1000x128xf32>
    %get3A_31 = arith.constant 0 : index
    %get3A_32 = arith.constant 0 : index
    %get3A_33 = vector.load %arg4[%get3A_31, %get3A_32] : memref<1000x128xf32, #tpu.memory_space<vmem>>, vector<1000x128xf32>
    %add3A_34 = arith.addf %get3A_33, %add3A_30 : vector<1000x128xf32>
    %reduce_sum3A = arith.constant dense<0.000000e+00> : vector<1000xf32>
    %reduce_sum3A_35 = vector.multi_reduction <add>, %add3A_34, %reduce_sum3A [1] : vector<1000x128xf32> to vector<1000xf32>
    %broadcast_in_dim3A = vector.shape_cast %reduce_sum3A_35 : vector<1000xf32> to vector<1000x1xf32>
    %div3A_36 = arith.constant 1.280000e+02 : f32
    %div3A_37 = vector.broadcast %div3A_36 : f32 to vector<1000x1xf32>
    %div3A_38 = arith.divf %broadcast_in_dim3A, %div3A_37 : vector<1000x1xf32>
    %sub3A = vector.broadcast %div3A_38 : vector<1000x1xf32> to vector<1000x128xf32>
    %sub3A_39 = arith.subf %add3A_34, %sub3A : vector<1000x128xf32>
    %integer_pow3A = arith.mulf %sub3A_39, %sub3A_39 : vector<1000x128xf32>
    %reduce_sum3A_40 = arith.constant dense<0.000000e+00> : vector<1000xf32>
    %reduce_sum3A_41 = vector.multi_reduction <add>, %integer_pow3A, %reduce_sum3A_40 [1] : vector<1000x128xf32> to vector<1000xf32>
    %broadcast_in_dim3A_42 = vector.shape_cast %reduce_sum3A_41 : vector<1000xf32> to vector<1000x1xf32>
    %div3A_43 = arith.constant 1.280000e+02 : f32
    %div3A_44 = vector.broadcast %div3A_43 : f32 to vector<1000x1xf32>
    %div3A_45 = arith.divf %broadcast_in_dim3A_42, %div3A_44 : vector<1000x1xf32>
    %sub3A_46 = vector.broadcast %div3A_38 : vector<1000x1xf32> to vector<1000x128xf32>
    %sub3A_47 = arith.subf %add3A_34, %sub3A_46 : vector<1000x128xf32>
    %add3A_48 = arith.constant 9.99999974E-6 : f32
    %add3A_49 = vector.broadcast %add3A_48 : f32 to vector<1000x1xf32>
    %add3A_50 = arith.addf %div3A_45, %add3A_49 : vector<1000x1xf32>
    %sqrt3A = math.sqrt %add3A_50 : vector<1000x1xf32>
    %div3A_51 = vector.broadcast %sqrt3A : vector<1000x1xf32> to vector<1000x128xf32>
    %div3A_52 = arith.divf %sub3A_47, %div3A_51 : vector<1000x128xf32>
    %get3A_53 = arith.constant 0 : index
    %get3A_54 = arith.constant 0 : index
    %get3A_55 = vector.load %arg10[%get3A_53, %get3A_54] : memref<1x128xf32, #tpu.memory_space<vmem>>, vector<1x128xf32>
    %mul3A = vector.broadcast %get3A_55 : vector<1x128xf32> to vector<1000x128xf32>
    %mul3A_56 = arith.mulf %div3A_52, %mul3A : vector<1000x128xf32>
    %get3A_57 = arith.constant 0 : index
    %get3A_58 = arith.constant 0 : index
    %get3A_59 = vector.load %arg11[%get3A_57, %get3A_58] : memref<1x128xf32, #tpu.memory_space<vmem>>, vector<1x128xf32>
    %add3A_60 = vector.broadcast %get3A_59 : vector<1x128xf32> to vector<1000x128xf32>
    %add3A_61 = arith.addf %mul3A_56, %add3A_60 : vector<1000x128xf32>
    %get3A_62 = arith.constant 0 : index
    %get3A_63 = arith.constant 0 : index
    %get3A_64 = vector.load %arg6[%get3A_62, %get3A_63] : memref<128x256xf32, #tpu.memory_space<vmem>>, vector<128x256xf32>
    %dot_general3A_65 = arith.constant dense<0.000000e+00> : vector<1000x256xf32>
    %dot_general3A_66 = tpu.matmul %add3A_61, %get3A_64, %dot_general3A_65 {dimension_numbers = #tpu.dot_dimension_numbers<[1], [0], [0], [1], [0, 0, 1, 1], [], []>, transpose_lhs_hint = false} : vector<1000x128xf32>, vector<128x256xf32>, vector<1000x256xf32> -> vector<1000x256xf32>
    %get3A_67 = arith.constant 0 : index
    %get3A_68 = arith.constant 0 : index
    %get3A_69 = vector.load %arg7[%get3A_67, %get3A_68] : memref<1x256xf32, #tpu.memory_space<vmem>>, vector<1x256xf32>
    %add3A_70 = vector.broadcast %get3A_69 : vector<1x256xf32> to vector<1000x256xf32>
    %add3A_71 = arith.addf %dot_general3A_66, %add3A_70 : vector<1000x256xf32>
    %max3A = arith.constant 0.000000e+00 : f32
    %max3A_72 = vector.broadcast %max3A : f32 to vector<1000x256xf32>
    %max3A_73 = arith.maximumf %add3A_71, %max3A_72 : vector<1000x256xf32>
    %get3A_74 = arith.constant 0 : index
    %get3A_75 = arith.constant 0 : index
    %get3A_76 = vector.load %arg8[%get3A_74, %get3A_75] : memref<256x128xf32, #tpu.memory_space<vmem>>, vector<256x128xf32>
    %dot_general3A_77 = arith.constant dense<0.000000e+00> : vector<1000x128xf32>
    %dot_general3A_78 = tpu.matmul %max3A_73, %get3A_76, %dot_general3A_77 {dimension_numbers = #tpu.dot_dimension_numbers<[1], [0], [0], [1], [0, 0, 1, 1], [], []>, transpose_lhs_hint = false} : vector<1000x256xf32>, vector<256x128xf32>, vector<1000x128xf32> -> vector<1000x128xf32>
    %get3A_79 = arith.constant 0 : index
    %get3A_80 = arith.constant 0 : index
    %get3A_81 = vector.load %arg9[%get3A_79, %get3A_80] : memref<1x128xf32, #tpu.memory_space<vmem>>, vector<1x128xf32>
    %add3A_82 = vector.broadcast %get3A_81 : vector<1x128xf32> to vector<1000x128xf32>
    %add3A_83 = arith.addf %dot_general3A_78, %add3A_82 : vector<1000x128xf32>
    %add3A_84 = arith.addf %add3A_61, %add3A_83 : vector<1000x128xf32>
    %reduce_sum3A_85 = arith.constant dense<0.000000e+00> : vector<1000xf32>
    %reduce_sum3A_86 = vector.multi_reduction <add>, %add3A_84, %reduce_sum3A_85 [1] : vector<1000x128xf32> to vector<1000xf32>
    %broadcast_in_dim3A_87 = vector.shape_cast %reduce_sum3A_86 : vector<1000xf32> to vector<1000x1xf32>
    %div3A_88 = arith.constant 1.280000e+02 : f32
    %div3A_89 = vector.broadcast %div3A_88 : f32 to vector<1000x1xf32>
    %div3A_90 = arith.divf %broadcast_in_dim3A_87, %div3A_89 : vector<1000x1xf32>
    %sub3A_91 = vector.broadcast %div3A_90 : vector<1000x1xf32> to vector<1000x128xf32>
    %sub3A_92 = arith.subf %add3A_84, %sub3A_91 : vector<1000x128xf32>
    %integer_pow3A_93 = arith.mulf %sub3A_92, %sub3A_92 : vector<1000x128xf32>
    %reduce_sum3A_94 = arith.constant dense<0.000000e+00> : vector<1000xf32>
    %reduce_sum3A_95 = vector.multi_reduction <add>, %integer_pow3A_93, %reduce_sum3A_94 [1] : vector<1000x128xf32> to vector<1000xf32>
    %broadcast_in_dim3A_96 = vector.shape_cast %reduce_sum3A_95 : vector<1000xf32> to vector<1000x1xf32>
    %div3A_97 = arith.constant 1.280000e+02 : f32
    %div3A_98 = vector.broadcast %div3A_97 : f32 to vector<1000x1xf32>
    %div3A_99 = arith.divf %broadcast_in_dim3A_96, %div3A_98 : vector<1000x1xf32>
    %sub3A_100 = vector.broadcast %div3A_90 : vector<1000x1xf32> to vector<1000x128xf32>
    %sub3A_101 = arith.subf %add3A_84, %sub3A_100 : vector<1000x128xf32>
    %add3A_102 = arith.constant 9.99999974E-6 : f32
    %add3A_103 = vector.broadcast %add3A_102 : f32 to vector<1000x1xf32>
    %add3A_104 = arith.addf %div3A_99, %add3A_103 : vector<1000x1xf32>
    %sqrt3A_105 = math.sqrt %add3A_104 : vector<1000x1xf32>
    %div3A_106 = vector.broadcast %sqrt3A_105 : vector<1000x1xf32> to vector<1000x128xf32>
    %div3A_107 = arith.divf %sub3A_101, %div3A_106 : vector<1000x128xf32>
    %get3A_108 = arith.constant 0 : index
    %get3A_109 = arith.constant 0 : index
    %get3A_110 = vector.load %arg12[%get3A_108, %get3A_109] : memref<1x128xf32, #tpu.memory_space<vmem>>, vector<1x128xf32>
    %mul3A_111 = vector.broadcast %get3A_110 : vector<1x128xf32> to vector<1000x128xf32>
    %mul3A_112 = arith.mulf %div3A_107, %mul3A_111 : vector<1000x128xf32>
    %get3A_113 = arith.constant 0 : index
    %get3A_114 = arith.constant 0 : index
    %get3A_115 = vector.load %arg13[%get3A_113, %get3A_114] : memref<1x128xf32, #tpu.memory_space<vmem>>, vector<1x128xf32>
    %add3A_116 = vector.broadcast %get3A_115 : vector<1x128xf32> to vector<1000x128xf32>
    %add3A_117 = arith.addf %mul3A_112, %add3A_116 : vector<1000x128xf32>
    %swap3A = arith.constant 0 : index
    %swap3A_118 = arith.constant 0 : index
    %swap3A_119 = vector.load %arg14[%swap3A, %swap3A_118] : memref<1000x128xf32, #tpu.memory_space<vmem>>, vector<1000x128xf32>
    tpu.vector_store %arg14[%swap3A, %swap3A_118], %add3A_117 {strides = array<i32>} : memref<1000x128xf32, #tpu.memory_space<vmem>>, vector<1000x128xf32>,
    return
  }
  func.func @transform_0(%arg0: i32) -> (i32, i32, i32) {
    %c0_i32 = arith.constant 0 : i32
    %c0_i32_0 = arith.constant 0 : i32
    %c0_i32_1 = arith.constant 0 : i32
    return %c0_i32, %arg0, %c0_i32_0 : i32, i32, i32
  }
  func.func @transform_1(%arg0: i32) -> (i32, i32, i32) {
    %c0_i32 = arith.constant 0 : i32
    %c0_i32_0 = arith.constant 0 : i32
    %c0_i32_1 = arith.constant 0 : i32
    return %c0_i32, %arg0, %c0_i32_0 : i32, i32, i32
  }
  func.func @transform_2(%arg0: i32) -> (i32, i32) {
    %c0_i32 = arith.constant 0 : i32
    %c0_i32_0 = arith.constant 0 : i32
    return %arg0, %c0_i32 : i32, i32
  }
  func.func @transform_3(%arg0: i32) -> (i32, i32) {
    %c0_i32 = arith.constant 0 : i32
    %c0_i32_0 = arith.constant 0 : i32
    return %arg0, %c0_i32 : i32, i32
  }
  func.func @transform_4(%arg0: i32) -> (i32, i32) {
    %c0_i32 = arith.constant 0 : i32
    %c0_i32_0 = arith.constant 0 : i32
    %c0_i32_1 = arith.constant 0 : i32
    return %c0_i32, %c0_i32_0 : i32, i32
  }
  func.func @transform_5(%arg0: i32) -> (i32, i32) {
    %c0_i32 = arith.constant 0 : i32
    %c0_i32_0 = arith.constant 0 : i32
    %c0_i32_1 = arith.constant 0 : i32
    return %c0_i32, %c0_i32_0 : i32, i32
  }
  func.func @transform_6(%arg0: i32) -> (i32, i32) {
    %c0_i32 = arith.constant 0 : i32
    %c0_i32_0 = arith.constant 0 : i32
    %c0_i32_1 = arith.constant 0 : i32
    return %c0_i32, %c0_i32_0 : i32, i32
  }
  func.func @transform_7(%arg0: i32) -> (i32, i32) {
    %c0_i32 = arith.constant 0 : i32
    %c0_i32_0 = arith.constant 0 : i32
    %c0_i32_1 = arith.constant 0 : i32
    return %c0_i32, %c0_i32_0 : i32, i32
  }
  func.func @transform_8(%arg0: i32) -> (i32, i32) {
    %c0_i32 = arith.constant 0 : i32
    %c0_i32_0 = arith.constant 0 : i32
    %c0_i32_1 = arith.constant 0 : i32
    return %c0_i32, %c0_i32_0 : i32, i32
  }
  func.func @transform_9(%arg0: i32) -> (i32, i32) {
    %c0_i32 = arith.constant 0 : i32
    %c0_i32_0 = arith.constant 0 : i32
    %c0_i32_1 = arith.constant 0 : i32
    return %c0_i32, %c0_i32_0 : i32, i32
  }
  func.func @transform_10(%arg0: i32) -> (i32, i32) {
    %c0_i32 = arith.constant 0 : i32
    %c0_i32_0 = arith.constant 0 : i32
    %c0_i32_1 = arith.constant 0 : i32
    return %c0_i32, %c0_i32_0 : i32, i32
  }
  func.func @transform_11(%arg0: i32) -> (i32, i32) {
    %c0_i32 = arith.constant 0 : i32
    %c0_i32_0 = arith.constant 0 : i32
    %c0_i32_1 = arith.constant 0 : i32
    return %c0_i32, %c0_i32_0 : i32, i32
  }
  func.func @transform_12(%arg0: i32) -> (i32, i32) {
    %c0_i32 = arith.constant 0 : i32
    %c0_i32_0 = arith.constant 0 : i32
    %c0_i32_1 = arith.constant 0 : i32
    return %c0_i32, %c0_i32_0 : i32, i32
  }
  func.func @transform_13(%arg0: i32) -> (i32, i32) {
    %c0_i32 = arith.constant 0 : i32
    %c0_i32_0 = arith.constant 0 : i32
    return %arg0, %c0_i32 : i32, i32
  }
}

</mosaic_0001>

<sc_bundles>
// kernel: kernel.11.cloned.1.call-start
scs
__scs_entry_jumppad:
0x0: {  	(pc) =	sbr.rel $0x88, $3  }
0x1: {  	(tag) =	ssettag $0x0;
	lr =	simm.s32 $0x1  }
0x2: {  	[smem:$0x3F8E] =	sst lr;
	_ =	strace $0xD0000000  }
0x3: {  	_ = 	snop  }
0x4: {  	_ = 	snop  }
0x5: {  	_ = 	snop  }
0x6: {  	_ = 	snop  }
0x7: {  	_ = 	snop  }
__scs_overlays_trampoline_lowered:
0x8: {  	[smem:$0x3F9D] =	sst s0  }
0x9: {  	[smem:$0x3F9E] =	sst s1  }
0xa: {  	[smem:$0x3F9F] =	sst s2  }
0xb: {  	[smem:$0x3FA0] =	sst s3  }
0xc: {  	[smem:$0x3FA1] =	sst s4  }
0xd: {  	[smem:$0x3FA2] =	sst s5  }
0xe: {  	[smem:$0x3FA3] =	sst s6  }
0xf: {  	[smem:$0x3FA4] =	sst s7  }
0x10: {  	[smem:$0x3FA5] =	sst s8  }
0x11: {  	[smem:$0x3FA6] =	sst s9;
	s0 =	simm.s32 @!p0 $0x0  }
0x12: {  	s1 =	sld [smem:$0x3F8C];
	s0 =	simm.s32 @p0 $0x1  }
0x13: {  	[smem:$0x3FA7] =	sst s0;
	s0 =	simm.s32 @!p1 $0x0  }
0x14: {  	s2 =	sld [smem:$0x3F8B];
	s0 =	simm.s32 @p1 $0x1  }
0x15: {  	[smem:$0x3FA8] =	sst s0;
	s0 =	simm.s32 @!p2 $0x0  }
0x16: {  	s3 =	sld [smem:$0x3FDB];
	s0 =	simm.s32 @p2 $0x1  }
0x17: {  	s4 =	simm.s32 $0x1BF5;
	[smem:$0x3FAA] =	sst s0  }
0x18: {  	s0 =	sld [smem:$0x3F8D];
	_ =	swait.ge [sflag:s4], $0x0  }
0x19: {  	s7 =	sld [smem:$0x3F8E]  }
0x1a: {  	s8 =	sadd.s32 $0xFFFFE003, lr  }
0x1b: {  	s9 =	sadd.s32 $0xFFFFFEF7, lr;
	s5 =	simm.s32 $0xFFFFFFFF;
	p2 =	slt.u32 s8, $0xFFFFF086  }
0x1c: {  	p1 =	slt.u32 s9, $0xF7A;
	s5 =	simm.s32 @!p2 $0x0  }
0x1d: {  	s5 =	simm.s32 @p1 $0x1;
	p0 =	seq.s32 s7, s2  }
0x1e: {  	s7 =	smul.u32 @!p0 $0xF7A, s2;
	p2 =	seq.s32 @!p0 s5, $0x0  }
0x1f: {  	s9 =	smul.u32 $0xF7A, s1;
	s8 =	simm.s32 @!p0 $0x1BF5;
	p2 =	por !p2, p0  }
0x20: {  	[sflag:s8] =	ssyncset.s32 @!p0 $0xFFFFF086;
	s6 =	sadd.s32 @!p0 s3, s7;
	s7 =	simm.s32 @!p0 $0x108  }
0x21: {  	s3 =	sadd.s32 s3, s9;
	s6 =	sadd.s32 @!p0 $0x88, s6;
	s7 =	simm.s32 @p2 $0x1082  }
0x22: {  	[simem:s7], [sflag:s8] =	dma.local @!p0 [hbm:s6], $0xF7A  }
0x23: {  	s9 =	sor.u32 $0xD0000000, s2;
	s6 =	simm.s32 $0x108;
	_ =	swait.ge @!p0 [sflag:s8], $0x0  }
0x24: {  	s3 =	sadd.s32 $0x88, s3;
	s6 =	simm.s32 @!p1 $0x1082;
	[sflag:s4] =	ssyncset.s32 $0xFFFFF086  }
0x25: {  	[simem:s6], [sflag:s4] =	dma.local [hbm:s3], $0xF7A  }
0x26: {  	[smem:$0x3F8E] =	sst s1;
	(tag) =	ssettag s2;
	_ =	strace s9  }
0x27: {  	s1 =	sld [smem:$0x3F9E]  }
0x28: {  	s2 =	sld [smem:$0x3F9F]  }
0x29: {  	s4 =	sld [smem:$0x3FA1]  }
0x2a: {  	p0 =	seq.s32 s5, $0x0;
	s5 =	sld [smem:$0x3FA2]  }
0x2b: {  	s6 =	sld [smem:$0x3FA3]  }
0x2c: {  	s7 =	sld [smem:$0x3FA4]  }
0x2d: {  	s3 =	simm.s32 $0x108;
	s8 =	sld [smem:$0x3FA5]  }
0x2e: {  	s3 =	simm.s32 @!p0 $0x1082;
	s9 =	sld [smem:$0x3FA6]  }
0x2f: {  	lr =	sadd.s32 s0, s3;
	s0 =	sld [smem:$0x3F9D]  }
0x30: {  	s3 =	sld [smem:$0x3FA0]  }
0x31: {  	[smem:$0x3FA9] =	sst s10  }
0x32: {  	s10 =	sld [smem:$0x3FA7];
	_ =	sdelay $0x3  }
0x33: {  	p0 =	seq.s32 s10, $0x1;
	s10 =	sld [smem:$0x3FA9];
	_ =	sdelay $0x3  }
0x34: {  	[smem:$0x3FA9] =	sst s10  }
0x35: {  	s10 =	sld [smem:$0x3FA8];
	_ =	sdelay $0x3  }
0x36: {  	p1 =	seq.s32 s10, $0x1;
	s10 =	sld [smem:$0x3FA9];
	_ =	sdelay $0x3  }
0x37: {  	[smem:$0x3FA9] =	sst s10  }
0x38: {  	s10 =	sld [smem:$0x3FAA]  }
0x39: {  	_ = 	snop;
	(pc) =	sbr.ind lr, $3  }
0x3a: {  	_ = 	snop  }
0x3b: {  	_ = 	snop  }
0x3c: {  	p2 =	seq.s32 s10, $0x1;
	s10 =	sld [smem:$0x3FA9]  }
0x3d: {  	_ =	shalt  }
0x3e: {  	_ =	shalt  }
0x3f: {  	_ =	shalt  }
0x40: {  	_ =	shalt  }
0x41: {  	_ =	shalt  }
0x42: {  	_ =	shalt  }
0x43: {  	_ =	shalt  }
0x44: {  	_ =	shalt  }
0x45: {  	_ =	shalt  }
0x46: {  	_ =	shalt  }
0x47: {  	_ =	shalt  }
0x48: {  	_ =	shalt  }
0x49: {  	_ =	shalt  }
0x4a: {  	_ =	shalt  }
0x4b: {  	_ =	shalt  }
0x4c: {  	_ =	shalt  }
0x4d: {  	_ =	shalt  }
0x4e: {  	_ =	shalt  }
0x4f: {  	_ =	shalt  }
0x50: {  	_ =	shalt  }
0x51: {  	_ =	shalt  }
0x52: {  	_ =	shalt  }
0x53: {  	_ =	shalt  }
0x54: {  	_ =	shalt  }
0x55: {  	_ =	shalt  }
0x56: {  	_ =	shalt  }
0x57: {  	_ =	shalt  }
0x58: {  	_ =	shalt  }
0x59: {  	_ =	shalt  }
0x5a: {  	_ =	shalt  }
0x5b: {  	_ =	shalt  }
0x5c: {  	_ =	shalt  }
0x5d: {  	_ =	shalt  }
0x5e: {  	_ =	shalt  }
0x5f: {  	_ =	shalt  }
0x60: {  	_ =	shalt  }
0x61: {  	_ =	shalt  }
0x62: {  	_ =	shalt  }
0x63: {  	_ =	shalt  }
0x64: {  	_ =	shalt  }
0x65: {  	_ =	shalt  }
0x66: {  	_ =	shalt  }
0x67: {  	_ =	shalt  }
0x68: {  	_ =	shalt  }
0x69: {  	_ =	shalt  }
0x6a: {  	_ =	shalt  }
0x6b: {  	_ =	shalt  }
0x6c: {  	_ =	shalt  }
0x6d: {  	_ =	shalt  }
0x6e: {  	_ =	shalt  }
0x6f: {  	_ =	shalt  }
0x70: {  	_ =	shalt  }
0x71: {  	_ =	shalt  }
0x72: {  	_ =	shalt  }
0x73: {  	_ =	shalt  }
0x74: {  	_ =	shalt  }
0x75: {  	_ =	shalt  }
0x76: {  	_ =	shalt  }
0x77: {  	_ =	shalt  }
0x78: {  	_ =	shalt  }
0x79: {  	_ =	shalt  }
0x7a: {  	_ =	shalt  }
0x7b: {  	_ =	shalt  }
0x7c: {  	_ =	shalt  }
0x7d: {  	_ =	shalt  }
0x7e: {  	_ =	shalt  }
0x7f: {  	_ =	shalt  }
0x80: {  	_ =	shalt  }
0x81: {  	_ =	shalt  }
0x82: {  	_ =	shalt  }
0x83: {  	_ =	shalt  }
0x84: {  	_ =	shalt  }
0x85: {  	_ =	shalt  }
0x86: {  	_ =	shalt  }
0x87: {  	_ =	shalt  }
.Lfunc_end0:
.L_simem_size_0:
called_computation.1_lowered:
.L_overlay_start_0:
0x88: {  	s2 =	sld [smem:$0x3FD9]  }
0x89: {  	s3 =	sld [smem:$0x3FFE];
	_ =	sdelay $0x1  }
0x8a: {  	s1 =	srdreg.scid  }
0x8b: {  	s0 =	sand.u32 $0x1, s1  }
0x8c: {  	s17 =	sshll.u32 s0, $0xA;
	s2 =	sadd.s32 s3, s2  }
0x8d: {  	s2 =	sadd.s32 s2, s17  }
0x8e: {  	[smem:$0x3FB5] =	sst s2  }
0x8f: {  	_ = 	snop  }
0x90: {  	(tm) =	ssettm $0x1  }
0x91: {  	s18 =	sld [smem:$0x3FFB];
	_ =	sdelay $0x3  }
0x92: {  	_ =	strace s18  }
0x93: {  	s2 =	sld [smem:$0x3FFC];
	_ =	sdelay $0x3  }
0x94: {  	_ =	strace s2  }
0x95: {  	s2 =	sld [smem:$0x3FFD];
	_ =	sdelay $0x3  }
0x96: {  	_ =	strace s2  }
0x97: {  	_ =	strace $0x8FFFFFFF  }
0x98: {  	s19 =	sld [smem:$0x3FDB];
	_ =	sdelay $0x1  }
0x99: {  	s20 =	simm.s32 $_scs_section_size  }
0x9a: {  	s4 =	simm.s32 $_size__tile_overlayer_lowered;
	s5 =	simm.s32 $_tile_overlayer_lowered  }
0x9b: {  	s6 =	simm.s32 $0x1BFF;
	s21 =	sshll.u32 s5, $0x1;
	s3 =	sadd.s32 s20, s19  }
0x9c: {  	s22 =	simm.s32 $0x0;
	s4 =	sshll.u32 s4, $0x1;
	s5 =	sadd.s32 s21, s3  }
0x9d: {  	[timem:s22], [sflag:s6] =	dma.local [hbm:s5], s4  }
0x9e: {  	_ =	swait.ge [sflag:s6], s4  }
0x9f: {  	s4 =	ssub.s32 $0x0, s4;
	[sflag:s6] =	ssyncset.done $0x0  }
0xa0: {  	[sflag:s6] =	ssyncadd.s32 s4;
	_ =	sdelay $0x1  }
0xa1: {  	s23 =	simm.s32 $0x1B8B  }
0xa2: {  	_ =	swait.ge [sflag:s23], $0x1  }
0xa3: {  	[sflag:s23] =	ssyncset.done $0x0  }
0xa4: {  	[sflag:s23] =	ssyncadd.s32 $0xFFFFFFFF  }
0xa5: {  	s4 =	sld [smem:$0x0]  }
0xa6: {  	s5 =	sand.u32 $0xFFFFFFFE, s1  }
0xa7: {  	p0 =	sne.s32 s1, s5  }
0xa8: {  	s5 =	sshll.u32 @p0 s5, $0xE  }
0xa9: {  	s5 =	sadd.s32 @p0 $0x11B8D, s5;
	s6 =	sshll.u32 @p0 s4, $0x11  }
0xaa: {  	s5 =	sor.u32 @p0 s6, s5  }
0xab: {  	[sflag:s5] =	ssyncadd.remote.s32 @p0 $0x1;
	_ =	sdelay $0x1  }
0xac: {  	s5 =	simm.s32 @p0 $0x1B8D  }
0xad: {  	_ =	swait.eq @p0 [sflag:s5], $0x1  }
0xae: {  	[sflag:s5] =	ssyncadd.s32 @p0 $0xFFFFFFFF  }
0xaf: {  	s6 =	sshll.u32 @!p0 s1, $0xE  }
0xb0: {  	s6 =	sor.u32 @!p0 $0x4000, s6;
	s5 =	simm.s32 @!p0 $0x1B8D  }
0xb1: {  	s4 =	sshll.u32 @!p0 s4, $0x11;
	s6 =	sadd.s32 @!p0 $0x11B8D, s6;
	_ =	swait.eq @!p0 [sflag:s5], $0x1  }
0xb2: {  	s4 =	sor.u32 @!p0 s4, s6;
	[sflag:s5] =	ssyncadd.s32 @!p0 $0xFFFFFFFF  }
0xb3: {  	s25 =	simm.s32 $0x1B8E;
	s24 =	sld [smem:$0x3FFE];
	[sflag:s4] =	ssyncadd.remote.s32 @!p0 $0x1  }
0xb4: {  	s26 =	simm.s32 $execute0_lowered;
	[smem:$0x3FD2] =	sst s25  }
0xb5: {  	s5 =	sshll.u32 s26, $0x1;
	_ =	strace $0x8000004C;
	[dreg:$0x1] =	wrdreg $0xFFFFFFFF  }
0xb6: {  	s28 =	simm.s32 $_size_execute0_lowered;
	s3 =	sadd.s32 s3, s5;
	[dreg:$0x0] =	wrdreg $0x0  }
0xb7: {  	s5 =	sshll.u32 s28, $0x1;
	[dreg:$0x2] =	wrdreg s3  }
0xb8: {  	[dreg:$0x3] =	wrdreg s5  }
0xb9: {  	[dreg:$0x4] =	wrdreg $0xC0  }
0xba: {  	_ =	task [dreg:s22], $0x5FFFF  }
0xbb: {  	[dreg:$0x1] =	wrdreg $0xFFFFFFFF  }
0xbc: {  	[dreg:$0x0] =	wrdreg $0x60  }
0xbd: {  	[dreg:$0x2] =	wrdreg s24  }
0xbe: {  	[dreg:$0x3] =	wrdreg $0x38800  }
0xbf: {  	[dreg:$0x4] =	wrdreg $0x9  }
0xc0: {  	_ =	task.clear_ibuf [dreg:s22], $0x5FFFF;
	_ =	strace $0x9000004C  }
0xc1: {  	s29 =	simm.s32 $0x9;
	_ =	strace $0x8000004E  }
0xc2: {  	_ =	swait.ge [sflag:s29], $0x1  }
0xc3: {  	[sflag:s29] =	ssyncadd.s32 $0xFFFFFFFF  }
0xc4: {  	_ =	strace $0x9000004E  }
0xc5: {  	_ =	sfence  }
0xc6: {  	s30 =	sld [smem:$0x0];
	_ =	sdelay $0x2  }
0xc7: {  	s31 =	sshll.u32 s1, $0xD;
	s1 =	sshrl.u32 s1, $0x2  }
0xc8: {  	s4 =	sand.u32 $0x4000, s31;
	s1 =	sadd.s32 s1, s30  }
0xc9: {  	s0 =	sor.u32 s4, s0;
	s1 =	sshll.u32 s1, $0x11  }
0xca: {  	s0 =	sor.u32 s1, s0  }
0xcb: {  	s0 =	sadd.s32 $0x8F2B, s0  }
0xcc: {  	[sflag:s0] =	ssyncadd.remote.s32 $0x1  }
0xcd: {  	_ =	sfence.sel $0xFFFF  }
0xce: {  	[dreg:$0x0] =	wrdreg $0xFFFFFFFF;
	(pc) =	sbr.abs _section_cstart, $3  }
0xcf: {  	[dreg:$0x1] =	wrdreg $0xFFFFFFFF  }
0xd0: {  	_ =	task.clear_ibuf [dreg:s22], $0x2FFFF;
	_ =	strace $0x9FFFFFFF  }
0xd1: {  	(tm) =	ssettm $0x7FFFFFFF  }
tec
execute0_lowered:
.L_overlay_start_1:
0x0: {  	(tag) =	ssettag $0x1  }
0x1: {  	s8 =	stileid.u32  }
0x2: {  	s0 =	srdreg.scid;
	s5 =	smul.u32 $0x2710, s8  }
0x3: {  	s1 =	rddreg [dreg:$0x0];
	s7 =	smul.u32 $0x14000, s8  }
0x4: {  	s2 =	rddreg [dreg:$0x1];
	s20 =	smul.u32 $0x50000, s8  }
0x5: {  	s3 =	simm.s32 $0x0;
	s0 =	sand.u32 $0x1, s0;
	s26 =	smul.u32 $0x27100, s8  }
0x6: {  	s29 =	simm.s32 $0x2880;
	s30 =	simm.s32 $0x1;
	s4 =	smul.u32 $0x27100, s0  }
0x7: {  	s31 =	simm.s32 $0x80;
	[smem:$0x7FF] =	sst s3;
	s6 =	smul.u32 $0x271000, s0  }
0x8: {  	s19 =	smul.u32 $0x140000, s0;
	_ =	strace $0x8000004D;
	s0 =	ssub.s32 $0x2, s0  }
0x9: {  	s21 =	sshrl.u32 s0, $0x1;
	s4 =	sadd.s32 s5, s4;
	s6 =	sadd.s32 s6, s1  }
0xa: {  	s5 =	sadd.s32 s7, s19;
	s0 =	ssub.s32 s0, s21;
	s4 =	sshrl.u32 s4, $0x3  }
0xb: {  	s5 =	sshrl.u32 s5, $0x3;
	s0 =	smax.u32 s0, $0x1;
	s25 =	sadd.s32 s4, s1  }
0xc: {  	s4 =	sshrl.u32 s20, $0x2;
	s1 =	sadd.s32 s5, s1;
	[dreg:$0x4] =	wrdreg s0  }
0xd: {  	s0 =	sadd.s32 s26, s6;
	s4 =	sadd.s32 s4, s2;
	s1 =	sadd.s32 $0xF81200, s1  }
0xe: {  	s25 =	sadd.s32 $0xDC00, s25;
	[dreg:$0x3] =	wrdreg s1;
	s22 =	sadd.s32 $0x1000, s4  }
0xf: {  	s23 =	sadd.s32 $0x2000, s4;
	s24 =	sadd.s32 $0x3000, s4;
	s10 =	sadd.s32 $0x4000, s4  }
0x10: {  	s11 =	sadd.s32 $0x5000, s4;
	s12 =	sadd.s32 $0x6000, s4;
	s13 =	sadd.s32 $0x7000, s4  }
0x11: {  	s14 =	sadd.s32 $0x8000, s4;
	s15 =	sadd.s32 $0x9000, s4;
	s16 =	sadd.s32 $0xA000, s4  }
0x12: {  	s17 =	sadd.s32 $0xB000, s4;
	s18 =	sadd.s32 $0xC000, s4;
	s19 =	sadd.s32 $0xD000, s4  }
0x13: {  	s20 =	sadd.s32 $0xE000, s4;
	s21 =	sadd.s32 $0xF000, s4;
	[dreg:$0x5] =	wrdreg s22  }
0x14: {  	s26 =	sadd.s32 $0x12000, s4;
	s28 =	sadd.s32 $0x13000, s4;
	[dreg:$0x6] =	wrdreg s23  }
0x15: {  	s1 =	simm.s32 $0x50;
	[dreg:$0x7] =	wrdreg s24;
	s22 =	sadd.s32 $0x10000, s4  }
0x16: {  	v0 =	vimm.f32 $0.0e+00;
	s23 =	sadd.s32 $0x11000, s4;
	s24 =	sadd.s32 $0x18F7000, s0;
	s0 =	simm.s32 $0x0  }
.LBB2_1:
0x17: {  	s5 =	simm.s32 $0x0;
	s6 =	simm.s32 $0x200  }
.LBB2_2:
0x18: {  	p0 =	sne.s32 s6, $0x3E00;
	[tilespmem:s5+$0x28F0] =	vst v0  }
0x19: {  	[tilespmem:s5+$0x2880] =	vst v0  }
0x1a: {  	[tilespmem:s5+$0x2890] =	vst v0  }
.Ltmp0:
0x1b: {  	[tilespmem:s5+$0x28A0] =	vst v0;
	(pc) =	sbr.rel @p0 .LBB2_2-.Ltmp0, $4  }
0x1c: {  	[tilespmem:s5+$0x28B0] =	vst v0  }
0x1d: {  	[tilespmem:s5+$0x28C0] =	vst v0  }
0x1e: {  	[tilespmem:s5+$0x28D0] =	vst v0  }
0x1f: {  	[tilespmem:s5+$0x28E0] =	vst v0;
	s5 =	sshra.s32 s6, $0x2;
	s6 =	sadd.s32 $0x200, s6  }
0x20: {  	[tilespmem:s5+$0x28F0] =	vst v0  }
0x21: {  	[tilespmem:s5+$0x2880] =	vst v0  }
0x22: {  	[tilespmem:s5+$0x2890] =	vst v0  }
0x23: {  	[tilespmem:s5+$0x28A0] =	vst v0  }
0x24: {  	[tilespmem:s5+$0x28B0] =	vst v0  }
0x25: {  	[tilespmem:s5+$0x28C0] =	vst v0  }
0x26: {  	[tilespmem:s5+$0x28D0] =	vst v0  }
0x27: {  	[tilespmem:s5+$0x28E0] =	vst v0  }
0x28: {  	[spmem:s4] =	stream.linear.scatter [tilespmem:s29], [sflag:$0x1], $0x1000, $0x38;
	[tilespmem:$0x17880] =	vst v63  }
0x29: {  	_ =	swait.ge [sflag:s30], $0x1000  }
0x2a: {  	[sflag:s30] =	ssyncset.done $0x0  }
0x2b: {  	s6 =	rddreg [dreg:$0x5];
	[sflag:s30] =	ssyncadd.s32 $0xFFFFF000  }
0x2c: {  	[spmem:s6] =	stream.linear.scatter [tilespmem:s29], [sflag:$0x1], $0x1000, $0x38;
	[tilespmem:$0x17880] =	vst v63  }
0x2d: {  	_ =	swait.ge [sflag:s30], $0x1000  }
0x2e: {  	[sflag:s30] =	ssyncset.done $0x0  }
0x2f: {  	s7 =	rddreg [dreg:$0x6];
	[sflag:s30] =	ssyncadd.s32 $0xFFFFF000  }
0x30: {  	[spmem:s7] =	stream.linear.scatter [tilespmem:s29], [sflag:$0x1], $0x1000, $0x38;
	[tilespmem:$0x17880] =	vst v63  }
0x31: {  	_ =	swait.ge [sflag:s30], $0x1000  }
0x32: {  	[sflag:s30] =	ssyncset.done $0x0  }
0x33: {  	s8 =	rddreg [dreg:$0x7];
	[sflag:s30] =	ssyncadd.s32 $0xFFFFF000  }
0x34: {  	[spmem:s8] =	stream.linear.scatter [tilespmem:s29], [sflag:$0x1], $0x1000, $0x38;
	[tilespmem:$0x17880] =	vst v63  }
0x35: {  	_ =	swait.ge [sflag:s30], $0x1000  }
0x36: {  	[sflag:s30] =	ssyncset.done $0x0  }
0x37: {  	[sflag:s30] =	ssyncadd.s32 $0xFFFFF000  }
0x38: {  	[spmem:s10] =	stream.linear.scatter [tilespmem:s29], [sflag:$0x1], $0x1000, $0x38;
	[tilespmem:$0x17880] =	vst v63  }
0x39: {  	_ =	swait.ge [sflag:s30], $0x1000  }
0x3a: {  	[sflag:s30] =	ssyncset.done $0x0  }
0x3b: {  	[sflag:s30] =	ssyncadd.s32 $0xFFFFF000  }
0x3c: {  	[spmem:s11] =	stream.linear.scatter [tilespmem:s29], [sflag:$0x1], $0x1000, $0x38;
	[tilespmem:$0x17880] =	vst v63  }
0x3d: {  	_ =	swait.ge [sflag:s30], $0x1000  }
0x3e: {  	[sflag:s30] =	ssyncset.done $0x0  }
0x3f: {  	[sflag:s30] =	ssyncadd.s32 $0xFFFFF000  }
0x40: {  	[spmem:s12] =	stream.linear.scatter [tilespmem:s29], [sflag:$0x1], $0x1000, $0x38;
	[tilespmem:$0x17880] =	vst v63  }
0x41: {  	_ =	swait.ge [sflag:s30], $0x1000  }
0x42: {  	[sflag:s30] =	ssyncset.done $0x0  }
0x43: {  	[sflag:s30] =	ssyncadd.s32 $0xFFFFF000  }
0x44: {  	[spmem:s13] =	stream.linear.scatter [tilespmem:s29], [sflag:$0x1], $0x1000, $0x38;
	[tilespmem:$0x17880] =	vst v63  }
0x45: {  	_ =	swait.ge [sflag:s30], $0x1000  }
0x46: {  	[sflag:s30] =	ssyncset.done $0x0  }
0x47: {  	[sflag:s30] =	ssyncadd.s32 $0xFFFFF000  }
0x48: {  	[spmem:s14] =	stream.linear.scatter [tilespmem:s29], [sflag:$0x1], $0x1000, $0x38;
	[tilespmem:$0x17880] =	vst v63  }
0x49: {  	_ =	swait.ge [sflag:s30], $0x1000  }
0x4a: {  	[sflag:s30] =	ssyncset.done $0x0  }
0x4b: {  	[sflag:s30] =	ssyncadd.s32 $0xFFFFF000  }
0x4c: {  	[spmem:s15] =	stream.linear.scatter [tilespmem:s29], [sflag:$0x1], $0x1000, $0x38;
	[tilespmem:$0x17880] =	vst v63  }
0x4d: {  	_ =	swait.ge [sflag:s30], $0x1000  }
0x4e: {  	[sflag:s30] =	ssyncset.done $0x0  }
0x4f: {  	[sflag:s30] =	ssyncadd.s32 $0xFFFFF000  }
0x50: {  	[spmem:s16] =	stream.linear.scatter [tilespmem:s29], [sflag:$0x1], $0x1000, $0x38;
	[tilespmem:$0x17880] =	vst v63  }
0x51: {  	_ =	swait.ge [sflag:s30], $0x1000  }
0x52: {  	[sflag:s30] =	ssyncset.done $0x0  }
0x53: {  	[sflag:s30] =	ssyncadd.s32 $0xFFFFF000  }
0x54: {  	[spmem:s17] =	stream.linear.scatter [tilespmem:s29], [sflag:$0x1], $0x1000, $0x38;
	[tilespmem:$0x17880] =	vst v63  }
0x55: {  	_ =	swait.ge [sflag:s30], $0x1000  }
0x56: {  	[sflag:s30] =	ssyncset.done $0x0  }
0x57: {  	[sflag:s30] =	ssyncadd.s32 $0xFFFFF000  }
0x58: {  	[spmem:s18] =	stream.linear.scatter [tilespmem:s29], [sflag:$0x1], $0x1000, $0x38;
	[tilespmem:$0x17880] =	vst v63  }
0x59: {  	_ =	swait.ge [sflag:s30], $0x1000  }
0x5a: {  	[sflag:s30] =	ssyncset.done $0x0  }
0x5b: {  	[sflag:s30] =	ssyncadd.s32 $0xFFFFF000  }
0x5c: {  	[spmem:s19] =	stream.linear.scatter [tilespmem:s29], [sflag:$0x1], $0x1000, $0x38;
	[tilespmem:$0x17880] =	vst v63  }
0x5d: {  	_ =	swait.ge [sflag:s30], $0x1000  }
0x5e: {  	[sflag:s30] =	ssyncset.done $0x0  }
0x5f: {  	[sflag:s30] =	ssyncadd.s32 $0xFFFFF000  }
0x60: {  	[spmem:s20] =	stream.linear.scatter [tilespmem:s29], [sflag:$0x1], $0x1000, $0x38;
	[tilespmem:$0x17880] =	vst v63  }
0x61: {  	_ =	swait.ge [sflag:s30], $0x1000  }
0x62: {  	[sflag:s30] =	ssyncset.done $0x0  }
0x63: {  	[sflag:s30] =	ssyncadd.s32 $0xFFFFF000  }
0x64: {  	[spmem:s21] =	stream.linear.scatter [tilespmem:s29], [sflag:$0x1], $0x1000, $0x38;
	[tilespmem:$0x17880] =	vst v63  }
0x65: {  	_ =	swait.ge [sflag:s30], $0x1000  }
0x66: {  	[sflag:s30] =	ssyncset.done $0x0  }
0x67: {  	[sflag:s30] =	ssyncadd.s32 $0xFFFFF000  }
0x68: {  	[spmem:s22] =	stream.linear.scatter [tilespmem:s29], [sflag:$0x1], $0x1000, $0x38;
	[tilespmem:$0x17880] =	vst v63  }
0x69: {  	_ =	swait.ge [sflag:s30], $0x1000  }
0x6a: {  	[sflag:s30] =	ssyncset.done $0x0  }
0x6b: {  	[sflag:s30] =	ssyncadd.s32 $0xFFFFF000  }
0x6c: {  	[spmem:s23] =	stream.linear.scatter [tilespmem:s29], [sflag:$0x1], $0x1000, $0x38;
	[tilespmem:$0x17880] =	vst v63  }
0x6d: {  	_ =	swait.ge [sflag:s30], $0x1000  }
0x6e: {  	[sflag:s30] =	ssyncset.done $0x0  }
0x6f: {  	[sflag:s30] =	ssyncadd.s32 $0xFFFFF000  }
0x70: {  	[spmem:s26] =	stream.linear.scatter [tilespmem:s29], [sflag:$0x1], $0x1000, $0x38;
	[tilespmem:$0x17880] =	vst v63  }
0x71: {  	_ =	swait.ge [sflag:s30], $0x1000  }
0x72: {  	[sflag:s30] =	ssyncset.done $0x0  }
0x73: {  	[sflag:s30] =	ssyncadd.s32 $0xFFFFF000  }
0x74: {  	[spmem:s28] =	stream.linear.scatter [tilespmem:s29], [sflag:$0x1], $0x1000, $0x38;
	[tilespmem:$0x17880] =	vst v63  }
0x75: {  	_ =	swait.ge [sflag:s30], $0x1000  }
0x76: {  	[sflag:s30] =	ssyncset.done $0x0  }
0x77: {  	[sflag:s30] =	ssyncadd.s32 $0xFFFFF000  }
0x78: {  	s9 =	sadd.s32 $0x0, s25;
	[bflag:$0x0] =	sbarrier.arrive $0xFFFF  }
0x79: {  	[tilespmem:s3], [sflag:$0x1] =	stream.linear.gather [hbm4b:s9+s3], $0x50, $0x38;
	[tilespmem:$0x17880] =	vst v63  }
0x7a: {  	_ =	swait.ge [sflag:s30], $0x50  }
0x7b: {  	[sflag:s30] =	ssyncset.done $0x0  }
0x7c: {  	[sflag:s30] =	ssyncadd.s32 $0xFFFFFFB0  }
0x7d: {  	[tilespmem:s31], [sflag:$0x1] =	stream.linear.gather [hbm4b:s24+s3], $0x2800, $0x38;
	[tilespmem:$0x17880] =	vst v63  }
0x7e: {  	_ =	swait.ge [sflag:s30], $0x2800  }
0x7f: {  	[sflag:s30] =	ssyncset.done $0x0  }
0x80: {  	[sflag:s30] =	ssyncadd.s32 $0xFFFFD800  }
0x81: {  	[spmem:s2] =	stream.indirect.scatter.add.f32 [tilespmem:s31], [sflag:$0x1], $0x80, s3, s1, $0xb8;
	[tilespmem:$0x17880] =	vst v63  }
0x82: {  	s5 =	sadd.s32 $0x500, s24;
	_ =	swait.ge [sflag:s30], $0x2800  }
0x83: {  	s6 =	simm.s32 $0xA;
	s7 =	simm.s32 $0x14;
	[sflag:s30] =	ssyncset.done $0x0  }
.LBB2_4:
0x84: {  	s8 =	sadd.s32 s6, s25  }
0x85: {  	[sflag:s30] =	ssyncadd.s32 $0xFFFFD800;
	s6 =	smov.u32 s7;
	s9 =	sadd.s32 $0xA, s7  }
0x86: {  	[tilespmem:s3], [sflag:$0x1] =	stream.linear.gather [hbm4b:s8+s3], $0x50, $0x38;
	[tilespmem:$0x17880] =	vst v63  }
0x87: {  	p0 =	sne.s32 s7, $0x4D8;
	_ =	swait.ge [sflag:s30], $0x50  }
0x88: {  	[sflag:s30] =	ssyncset.done $0x0  }
0x89: {  	[sflag:s30] =	ssyncadd.s32 $0xFFFFFFB0  }
0x8a: {  	[tilespmem:s31], [sflag:$0x1] =	stream.linear.gather [hbm4b:s5+s3], $0x2800, $0x38;
	[tilespmem:$0x17880] =	vst v63  }
0x8b: {  	_ =	swait.ge [sflag:s30], $0x2800  }
.Ltmp1:
0x8c: {  	[sflag:s30] =	ssyncset.done $0x0;
	(pc) =	sbr.rel @p0 .LBB2_4-.Ltmp1, $4  }
0x8d: {  	[sflag:s30] =	ssyncadd.s32 $0xFFFFD800  }
0x8e: {  	[spmem:s2] =	stream.indirect.scatter.add.f32 [tilespmem:s31], [sflag:$0x1], $0x80, s3, s1, $0xb8;
	[tilespmem:$0x17880] =	vst v63  }
0x8f: {  	_ =	swait.ge [sflag:s30], $0x2800  }
0x90: {  	s7 =	smov.u32 s9;
	s5 =	sadd.s32 $0x500, s5;
	[sflag:s30] =	ssyncset.done $0x0  }
0x91: {  	s6 =	sadd.s32 s6, s25;
	[sflag:s30] =	ssyncadd.s32 $0xFFFFD800  }
0x92: {  	[tilespmem:s3], [sflag:$0x1] =	stream.linear.gather [hbm4b:s6+s3], $0x50, $0x38;
	[tilespmem:$0x17880] =	vst v63  }
0x93: {  	_ =	swait.ge [sflag:s30], $0x50  }
0x94: {  	[sflag:s30] =	ssyncset.done $0x0  }
0x95: {  	[sflag:s30] =	ssyncadd.s32 $0xFFFFFFB0  }
0x96: {  	[tilespmem:s31], [sflag:$0x1] =	stream.linear.gather [hbm4b:s5+s3], $0x2800, $0x38;
	[tilespmem:$0x17880] =	vst v63  }
0x97: {  	_ =	swait.ge [sflag:s30], $0x2800  }
0x98: {  	[sflag:s30] =	ssyncset.done $0x0  }
0x99: {  	[sflag:s30] =	ssyncadd.s32 $0xFFFFD800  }
0x9a: {  	[spmem:s2] =	stream.indirect.scatter.add.f32 [tilespmem:s31], [sflag:$0x1], $0x80, s3, s1, $0xb8;
	[tilespmem:$0x17880] =	vst v63  }
0x9b: {  	_ =	swait.ge [sflag:s30], $0x2800  }
0x9c: {  	[sflag:s30] =	ssyncset.done $0x0  }
0x9d: {  	s7 =	stileid.u32;
	[sflag:s30] =	ssyncadd.s32 $0xFFFFD800  }
0x9e: {  	s5 =	sshll.u32 s7, $0x6;
	[bflag:$0x0] =	sbarrier.arrive $0xFFFF  }
0x9f: {  	s8 =	sshrl.u32 s4, $0x3;
	s5 =	sor.u32 $0x1C01, s5;
	s7 =	rddreg [dreg:$0x3]  }
0xa0: {  	[hbm:s7], [sflag:s5] =	dma.local [spmem:s8], $0x2800  }
0xa1: {  	_ =	swait.ge [sflag:s30], $0x2800  }
0xa2: {  	s0 =	sadd.s32 $0x1, s0;
	s9 =	rddreg [dreg:$0x4]  }
0xa3: {  	p0 =	sne.s32 s0, s9  }
.Ltmp2:
0xa4: {  	_ = 	snop;
	(pc) =	sbr.rel @p0 .LBB2_1-.Ltmp2, $3  }
0xa5: {  	_ =	sdelay $0x1  }
0xa6: {  	[sflag:s30] =	ssyncset.done $0x0  }
0xa7: {  	[sflag:s30] =	ssyncadd.s32 $0xFFFFD800  }
0xa8: {  	_ =	sfence.sel $0x180000  }
0xa9: {  	[bflag:$0x0] =	sbarrier.arrive $0xFFFF  }
0xaa: {  	_ =	strace $0x9000004D  }
0xab: {  	s0 =	stileid.u32;
	[bflag:$0x2] =	sbarrier.arrive $0xFFFF  }
0xac: {  	p0 =	sne.s32 s0, $0x0;
	s0 =	rddreg [dreg:$0x2]  }
0xad: {  	s0 =	sadd.s32 @!p0 $0x100000, s0  }
0xae: {  	[sflag:s0] =	ssyncadd.tile.s32 @!p0 $0x1;
	_ =	shalt  }
.Lfunc_end2:
_tile_overlayer_lowered:
.L_overlay_start_2:
0xaf: {  	(tag) =	ssettag $0x2  }
0xb0: {  	s0 =	rddreg [dreg:$0x0];
	s2 =	stileid.u32  }
0xb1: {  	s1 =	rddreg [dreg:$0x1];
	p0 =	sne.s32 s2, $0x0  }
0xb2: {  	s3 =	rddreg [dreg:$0x2];
	[bflag:$0x3] =	sbarrier.arrive $0xFFFF;
	s2 =	simm.s32 @!p0 $0x1C01  }
0xb3: {  	[timem:s3], [sflag:s2] =	dma.local @!p0 [hbm:s0], s1  }
0xb4: {  	s0 =	simm.s32 @!p0 $0x1  }
0xb5: {  	_ =	swait.ge @!p0 [sflag:s0], s1  }
0xb6: {  	s1 =	ssub.s32 @!p0 $0x0, s1;
	[sflag:s0] =	ssyncset.done @!p0 $0x0  }
0xb7: {  	[sflag:s0] =	ssyncadd.s32 @!p0 s1  }
0xb8: {  	[bflag:$0x3] =	sbarrier.arrive $0xFFFF  }
0xb9: {  	_ =	shalt  }

// kernel: kernel.14.cloned.1.call-start
scs
__scs_entry_jumppad:
0x0: {  	(pc) =	sbr.rel $0x88, $3  }
0x1: {  	(tag) =	ssettag $0x0;
	lr =	simm.s32 $0x1  }
0x2: {  	[smem:$0x3F8E] =	sst lr;
	_ =	strace $0xD0000000  }
0x3: {  	_ = 	snop  }
0x4: {  	_ = 	snop  }
0x5: {  	_ = 	snop  }
0x6: {  	_ = 	snop  }
0x7: {  	_ = 	snop  }
__scs_overlays_trampoline_lowered:
0x8: {  	[smem:$0x3F9D] =	sst s0  }
0x9: {  	[smem:$0x3F9E] =	sst s1  }
0xa: {  	[smem:$0x3F9F] =	sst s2  }
0xb: {  	[smem:$0x3FA0] =	sst s3  }
0xc: {  	[smem:$0x3FA1] =	sst s4  }
0xd: {  	[smem:$0x3FA2] =	sst s5  }
0xe: {  	[smem:$0x3FA3] =	sst s6  }
0xf: {  	[smem:$0x3FA4] =	sst s7  }
0x10: {  	[smem:$0x3FA5] =	sst s8  }
0x11: {  	[smem:$0x3FA6] =	sst s9;
	s0 =	simm.s32 @!p0 $0x0  }
0x12: {  	s1 =	sld [smem:$0x3F8C];
	s0 =	simm.s32 @p0 $0x1  }
0x13: {  	[smem:$0x3FA7] =	sst s0;
	s0 =	simm.s32 @!p1 $0x0  }
0x14: {  	s2 =	sld [smem:$0x3F8B];
	s0 =	simm.s32 @p1 $0x1  }
0x15: {  	[smem:$0x3FA8] =	sst s0;
	s0 =	simm.s32 @!p2 $0x0  }
0x16: {  	s3 =	sld [smem:$0x3FDB];
	s0 =	simm.s32 @p2 $0x1  }
0x17: {  	s4 =	simm.s32 $0x1BF5;
	[smem:$0x3FAA] =	sst s0  }
0x18: {  	s0 =	sld [smem:$0x3F8D];
	_ =	swait.ge [sflag:s4], $0x0  }
0x19: {  	s7 =	sld [smem:$0x3F8E]  }
0x1a: {  	s8 =	sadd.s32 $0xFFFFE003, lr  }
0x1b: {  	s9 =	sadd.s32 $0xFFFFFEF7, lr;
	s5 =	simm.s32 $0xFFFFFFFF;
	p2 =	slt.u32 s8, $0xFFFFF086  }
0x1c: {  	p1 =	slt.u32 s9, $0xF7A;
	s5 =	simm.s32 @!p2 $0x0  }
0x1d: {  	s5 =	simm.s32 @p1 $0x1;
	p0 =	seq.s32 s7, s2  }
0x1e: {  	s7 =	smul.u32 @!p0 $0xF7A, s2;
	p2 =	seq.s32 @!p0 s5, $0x0  }
0x1f: {  	s9 =	smul.u32 $0xF7A, s1;
	s8 =	simm.s32 @!p0 $0x1BF5;
	p2 =	por !p2, p0  }
0x20: {  	[sflag:s8] =	ssyncset.s32 @!p0 $0xFFFFF086;
	s6 =	sadd.s32 @!p0 s3, s7;
	s7 =	simm.s32 @!p0 $0x108  }
0x21: {  	s3 =	sadd.s32 s3, s9;
	s6 =	sadd.s32 @!p0 $0x88, s6;
	s7 =	simm.s32 @p2 $0x1082  }
0x22: {  	[simem:s7], [sflag:s8] =	dma.local @!p0 [hbm:s6], $0xF7A  }
0x23: {  	s9 =	sor.u32 $0xD0000000, s2;
	s6 =	simm.s32 $0x108;
	_ =	swait.ge @!p0 [sflag:s8], $0x0  }
0x24: {  	s3 =	sadd.s32 $0x88, s3;
	s6 =	simm.s32 @!p1 $0x1082;
	[sflag:s4] =	ssyncset.s32 $0xFFFFF086  }
0x25: {  	[simem:s6], [sflag:s4] =	dma.local [hbm:s3], $0xF7A  }
0x26: {  	[smem:$0x3F8E] =	sst s1;
	(tag) =	ssettag s2;
	_ =	strace s9  }
0x27: {  	s1 =	sld [smem:$0x3F9E]  }
0x28: {  	s2 =	sld [smem:$0x3F9F]  }
0x29: {  	s4 =	sld [smem:$0x3FA1]  }
0x2a: {  	p0 =	seq.s32 s5, $0x0;
	s5 =	sld [smem:$0x3FA2]  }
0x2b: {  	s6 =	sld [smem:$0x3FA3]  }
0x2c: {  	s7 =	sld [smem:$0x3FA4]  }
0x2d: {  	s3 =	simm.s32 $0x108;
	s8 =	sld [smem:$0x3FA5]  }
0x2e: {  	s3 =	simm.s32 @!p0 $0x1082;
	s9 =	sld [smem:$0x3FA6]  }
0x2f: {  	lr =	sadd.s32 s0, s3;
	s0 =	sld [smem:$0x3F9D]  }
0x30: {  	s3 =	sld [smem:$0x3FA0]  }
0x31: {  	[smem:$0x3FA9] =	sst s10  }
0x32: {  	s10 =	sld [smem:$0x3FA7];
	_ =	sdelay $0x3  }
0x33: {  	p0 =	seq.s32 s10, $0x1;
	s10 =	sld [smem:$0x3FA9];
	_ =	sdelay $0x3  }
0x34: {  	[smem:$0x3FA9] =	sst s10  }
0x35: {  	s10 =	sld [smem:$0x3FA8];
	_ =	sdelay $0x3  }
0x36: {  	p1 =	seq.s32 s10, $0x1;
	s10 =	sld [smem:$0x3FA9];
	_ =	sdelay $0x3  }
0x37: {  	[smem:$0x3FA9] =	sst s10  }
0x38: {  	s10 =	sld [smem:$0x3FAA]  }
0x39: {  	_ = 	snop;
	(pc) =	sbr.ind lr, $3  }
0x3a: {  	_ = 	snop  }
0x3b: {  	_ = 	snop  }
0x3c: {  	p2 =	seq.s32 s10, $0x1;
	s10 =	sld [smem:$0x3FA9]  }
0x3d: {  	_ =	shalt  }
0x3e: {  	_ =	shalt  }
0x3f: {  	_ =	shalt  }
0x40: {  	_ =	shalt  }
0x41: {  	_ =	shalt  }
0x42: {  	_ =	shalt  }
0x43: {  	_ =	shalt  }
0x44: {  	_ =	shalt  }
0x45: {  	_ =	shalt  }
0x46: {  	_ =	shalt  }
0x47: {  	_ =	shalt  }
0x48: {  	_ =	shalt  }
0x49: {  	_ =	shalt  }
0x4a: {  	_ =	shalt  }
0x4b: {  	_ =	shalt  }
0x4c: {  	_ =	shalt  }
0x4d: {  	_ =	shalt  }
0x4e: {  	_ =	shalt  }
0x4f: {  	_ =	shalt  }
0x50: {  	_ =	shalt  }
0x51: {  	_ =	shalt  }
0x52: {  	_ =	shalt  }
0x53: {  	_ =	shalt  }
0x54: {  	_ =	shalt  }
0x55: {  	_ =	shalt  }
0x56: {  	_ =	shalt  }
0x57: {  	_ =	shalt  }
0x58: {  	_ =	shalt  }
0x59: {  	_ =	shalt  }
0x5a: {  	_ =	shalt  }
0x5b: {  	_ =	shalt  }
0x5c: {  	_ =	shalt  }
0x5d: {  	_ =	shalt  }
0x5e: {  	_ =	shalt  }
0x5f: {  	_ =	shalt  }
0x60: {  	_ =	shalt  }
0x61: {  	_ =	shalt  }
0x62: {  	_ =	shalt  }
0x63: {  	_ =	shalt  }
0x64: {  	_ =	shalt  }
0x65: {  	_ =	shalt  }
0x66: {  	_ =	shalt  }
0x67: {  	_ =	shalt  }
0x68: {  	_ =	shalt  }
0x69: {  	_ =	shalt  }
0x6a: {  	_ =	shalt  }
0x6b: {  	_ =	shalt  }
0x6c: {  	_ =	shalt  }
0x6d: {  	_ =	shalt  }
0x6e: {  	_ =	shalt  }
0x6f: {  	_ =	shalt  }
0x70: {  	_ =	shalt  }
0x71: {  	_ =	shalt  }
0x72: {  	_ =	shalt  }
0x73: {  	_ =	shalt  }
0x74: {  	_ =	shalt  }
0x75: {  	_ =	shalt  }
0x76: {  	_ =	shalt  }
0x77: {  	_ =	shalt  }
0x78: {  	_ =	shalt  }
0x79: {  	_ =	shalt  }
0x7a: {  	_ =	shalt  }
0x7b: {  	_ =	shalt  }
0x7c: {  	_ =	shalt  }
0x7d: {  	_ =	shalt  }
0x7e: {  	_ =	shalt  }
0x7f: {  	_ =	shalt  }
0x80: {  	_ =	shalt  }
0x81: {  	_ =	shalt  }
0x82: {  	_ =	shalt  }
0x83: {  	_ =	shalt  }
0x84: {  	_ =	shalt  }
0x85: {  	_ =	shalt  }
0x86: {  	_ =	shalt  }
0x87: {  	_ =	shalt  }
.Lfunc_end0:
.L_simem_size_0:
called_computation.2_lowered:
.L_overlay_start_0:
0x88: {  	s2 =	sld [smem:$0x3FD9]  }
0x89: {  	s3 =	sld [smem:$0x3FFE];
	_ =	sdelay $0x1  }
0x8a: {  	s1 =	srdreg.scid  }
0x8b: {  	s0 =	sand.u32 $0x1, s1  }
0x8c: {  	s17 =	sshll.u32 s0, $0xA;
	s2 =	sadd.s32 s3, s2  }
0x8d: {  	s2 =	sadd.s32 s2, s17  }
0x8e: {  	[smem:$0x3FB5] =	sst s2  }
0x8f: {  	_ = 	snop  }
0x90: {  	s2 =	sld [smem:$0x3FD0];
	(tm) =	ssettm $0x1  }
0x91: {  	s18 =	sld [smem:$0x3FFB];
	_ =	sdelay $0x3  }
0x92: {  	_ =	strace s18  }
0x93: {  	s3 =	sld [smem:$0x3FFC];
	_ =	sdelay $0x3  }
0x94: {  	_ =	strace s3  }
0x95: {  	s3 =	sld [smem:$0x3FFD];
	_ =	sdelay $0x3  }
0x96: {  	_ =	strace s3  }
0x97: {  	_ =	strace $0x8FFFFFFF  }
0x98: {  	s19 =	sld [smem:$0x3FDB];
	_ =	sdelay $0x1  }
0x99: {  	s4 =	simm.s32 $_scs_section_size  }
0x9a: {  	s5 =	simm.s32 $_size__tile_overlayer_lowered;
	s6 =	simm.s32 $_tile_overlayer_lowered  }
0x9b: {  	s22 =	simm.s32 $0x1BFF;
	s21 =	sshll.u32 s6, $0x1;
	s3 =	sadd.s32 s4, s19  }
0x9c: {  	s7 =	simm.s32 $0x0;
	s20 =	sshll.u32 s5, $0x1;
	s5 =	sadd.s32 s21, s3  }
0x9d: {  	[timem:s7], [sflag:s22] =	dma.local [hbm:s5], s20  }
0x9e: {  	_ =	swait.ge [sflag:s22], s20  }
0x9f: {  	s4 =	ssub.s32 $0x0, s20;
	[sflag:s22] =	ssyncset.done $0x0  }
0xa0: {  	[sflag:s22] =	ssyncadd.s32 s4;
	_ =	sdelay $0x1  }
0xa1: {  	s23 =	simm.s32 $0x1B8B  }
0xa2: {  	_ =	swait.ge [sflag:s23], $0x1  }
0xa3: {  	[sflag:s23] =	ssyncset.done $0x0  }
0xa4: {  	s25 =	simm.s32 $0x1B8E;
	s24 =	sld [smem:$0x3FFE];
	[sflag:s23] =	ssyncadd.s32 $0xFFFFFFFF  }
0xa5: {  	s26 =	simm.s32 $execute0_lowered;
	[smem:$0x3FD2] =	sst s25  }
0xa6: {  	s5 =	sshll.u32 s26, $0x1;
	_ =	strace $0x80000049;
	[dreg:$0x1] =	wrdreg $0xFFFFFFFF  }
0xa7: {  	s28 =	simm.s32 $_size_execute0_lowered;
	s3 =	sadd.s32 s3, s5;
	[dreg:$0x0] =	wrdreg $0x0  }
0xa8: {  	s5 =	sshll.u32 s28, $0x1;
	[dreg:$0x2] =	wrdreg s3  }
0xa9: {  	[dreg:$0x3] =	wrdreg s5  }
0xaa: {  	[dreg:$0x4] =	wrdreg $0xC0  }
0xab: {  	_ =	task [dreg:s7], $0x5FFFF  }
0xac: {  	[dreg:$0x1] =	wrdreg $0xFFFFFFFF  }
0xad: {  	[dreg:$0x0] =	wrdreg $0x60  }
0xae: {  	[dreg:$0x2] =	wrdreg s24  }
0xaf: {  	[dreg:$0x3] =	wrdreg s2  }
0xb0: {  	[dreg:$0x4] =	wrdreg $0x5000  }
0xb1: {  	[dreg:$0x5] =	wrdreg $0xA  }
0xb2: {  	_ =	task.clear_ibuf [dreg:s7], $0x6FFFF;
	_ =	strace $0x90000049  }
0xb3: {  	s29 =	simm.s32 $0xA;
	_ =	strace $0x8000004B  }
0xb4: {  	_ =	swait.ge [sflag:s29], $0x1  }
0xb5: {  	[sflag:s29] =	ssyncadd.s32 $0xFFFFFFFF  }
0xb6: {  	_ =	strace $0x9000004B  }
0xb7: {  	_ =	sfence  }
0xb8: {  	s30 =	sld [smem:$0x0];
	_ =	sdelay $0x2  }
0xb9: {  	s31 =	sshll.u32 s1, $0xD;
	s1 =	sshrl.u32 s1, $0x2  }
0xba: {  	s3 =	sand.u32 $0x4000, s31;
	s1 =	sadd.s32 s1, s30  }
0xbb: {  	s0 =	sor.u32 s3, s0;
	s1 =	sshll.u32 s1, $0x11  }
0xbc: {  	s0 =	sor.u32 s1, s0  }
0xbd: {  	s0 =	sadd.s32 $0x8F2B, s0  }
0xbe: {  	[sflag:s0] =	ssyncadd.remote.s32 $0x1  }
0xbf: {  	_ =	sfence.sel $0xFFFF  }
0xc0: {  	[dreg:$0x0] =	wrdreg $0xFFFFFFFF;
	(pc) =	sbr.abs _section_cstart, $3  }
0xc1: {  	[dreg:$0x1] =	wrdreg $0xFFFFFFFF  }
0xc2: {  	_ =	task.clear_ibuf [dreg:s7], $0x2FFFF;
	_ =	strace $0x9FFFFFFF  }
0xc3: {  	(tm) =	ssettm $0x7FFFFFFF  }
tec
execute0_lowered:
.L_overlay_start_1:
0x0: {  	(tag) =	ssettag $0x1  }
0x1: {  	s4 =	rddreg [dreg:$0x0]  }
0x2: {  	s6 =	rddreg [dreg:$0x1]  }
0x3: {  	s1 =	rddreg [dreg:$0x2]  }
0x4: {  	s2 =	srdreg.scid;
	s0 =	rddreg [dreg:$0x3]  }
0x5: {  	s3 =	simm.s32 $0x0;
	s13 =	simm.s32 $0x20;
	s5 =	sand.u32 $0x1, s2  }
0x6: {  	s14 =	simm.s32 $0x10;
	s2 =	stileid.u32;
	s7 =	smul.u32 $0x27100, s5  }
0x7: {  	s15 =	simm.s32 $0x0;
	[smem:$0x7FF] =	sst s3;
	s8 =	smul.u32 $0x1400, s2  }
0x8: {  	_ =	strace $0x8000004A;
	s9 =	ssub.s32 $0x2, s5;
	s12 =	smul.u32 $0x2800, s2  }
0x9: {  	s5 =	sshll.u32 s5, $0x7;
	s29 =	smul.u32 $0x2710, s2;
	s30 =	sshll.u32 s2, $0x6  }
0xa: {  	s11 =	sshrl.u32 s9, $0x1;
	s7 =	sadd.s32 s7, s4;
	s10 =	sshrl.u32 s8, $0x3  }
0xb: {  	s9 =	ssub.s32 s9, s11;
	s28 =	sadd.s32 s8, s1;
	s5 =	sor.u32 s5, s12  }
0xc: {  	s11 =	simm.s32 $0x1;
	s4 =	sadd.s32 s10, s4;
	s12 =	sshrl.u32 s5, $0x3  }
0xd: {  	s5 =	sor.u32 $0x1C01, s30;
	s31 =	sadd.s32 s29, s7;
	s7 =	smax.u32 s9, $0x1  }
0xe: {  	s10 =	sshrl.u32 s28, $0x3;
	s4 =	sadd.s32 $0x3E00, s4;
	s6 =	sadd.s32 s6, s12  }
0xf: {  	s8 =	sadd.s32 $0xF33000, s31;
	s9 =	sadd.s32 $0x17A00, s31;
	s12 =	simm.s32 $0x280  }
.LBB2_1:
0x10: {  	[spmem:s10], [sflag:s5] =	dma.local [hbm:s4], $0x280  }
0x11: {  	_ =	swait.ge [sflag:s11], $0x280  }
0x12: {  	[sflag:s11] =	ssyncset.done $0x0  }
0x13: {  	[sflag:s11] =	ssyncadd.s32 $0xFFFFFD80  }
0x14: {  	s16 =	sadd.s32 $0x0, s9;
	[bflag:$0x0] =	sbarrier.arrive $0xFFFF  }
0x15: {  	[tilespmem:s3], [sflag:$0x1] =	stream.linear.gather [hbm4b:s16+s3], $0x280, $0x38;
	[tilespmem:$0x1900] =	vst v63  }
0x16: {  	_ =	swait.ge [sflag:s11], $0x280  }
0x17: {  	[sflag:s11] =	ssyncset.done $0x0  }
0x18: {  	s31 =	sadd.s32 $0x0, s8;
	[sflag:s11] =	ssyncadd.s32 $0xFFFFFD80  }
0x19: {  	[tilespmem:s12], [sflag:$0x1] =	stream.linear.gather [hbm4b:s31+s3], $0x280, $0x38;
	[tilespmem:$0x1900] =	vst v63  }
0x1a: {  	_ =	swait.ge [sflag:s11], $0x280  }
0x1b: {  	[sflag:s11] =	ssyncset.done $0x0  }
0x1c: {  	[sflag:s11] =	ssyncadd.s32 $0xFFFFFD80  }
0x1d: {  	[spmem:s1] =	stream.indirect.scatter.add.f32 [tilespmem:s12], [sflag:$0x1], $0x1, s3, s12, $0xb8;
	[tilespmem:$0x1900] =	vst v63  }
0x1e: {  	_ =	swait.ge [sflag:s11], $0x280  }
0x1f: {  	s17 =	simm.s32 $0xA0;
	s16 =	simm.s32 $0x50;
	[sflag:s11] =	ssyncset.done $0x0  }
.LBB2_2:
0x20: {  	s18 =	sadd.s32 s16, s9  }
0x21: {  	[sflag:s11] =	ssyncadd.s32 $0xFFFFFD80;
	s19 =	smov.u32 s17;
	s20 =	sadd.s32 $0x50, s17  }
0x22: {  	[tilespmem:s3], [sflag:$0x1] =	stream.linear.gather [hbm4b:s18+s3], $0x280, $0x38;
	[tilespmem:$0x1900] =	vst v63  }
0x23: {  	p0 =	sne.s32 s17, $0x26C0;
	_ =	swait.ge [sflag:s11], $0x280  }
0x24: {  	[sflag:s11] =	ssyncset.done $0x0  }
0x25: {  	s17 =	sadd.s32 s16, s8;
	s16 =	smov.u32 s19;
	[sflag:s11] =	ssyncadd.s32 $0xFFFFFD80  }
0x26: {  	[tilespmem:s12], [sflag:$0x1] =	stream.linear.gather [hbm4b:s17+s3], $0x280, $0x38;
	[tilespmem:$0x1900] =	vst v63  }
0x27: {  	_ =	swait.ge [sflag:s11], $0x280  }
.Ltmp0:
0x28: {  	[sflag:s11] =	ssyncset.done $0x0;
	(pc) =	sbr.rel @p0 .LBB2_2-.Ltmp0, $4  }
0x29: {  	[sflag:s11] =	ssyncadd.s32 $0xFFFFFD80  }
0x2a: {  	[spmem:s1] =	stream.indirect.scatter.add.f32 [tilespmem:s12], [sflag:$0x1], $0x1, s3, s12, $0xb8;
	[tilespmem:$0x1900] =	vst v63  }
0x2b: {  	_ =	swait.ge [sflag:s11], $0x280  }
0x2c: {  	s17 =	smov.u32 s20;
	[sflag:s11] =	ssyncset.done $0x0  }
0x2d: {  	s17 =	sadd.s32 s16, s9;
	[sflag:s11] =	ssyncadd.s32 $0xFFFFFD80  }
0x2e: {  	[tilespmem:s3], [sflag:$0x1] =	stream.linear.gather [hbm4b:s17+s3], $0x280, $0x38;
	[tilespmem:$0x1900] =	vst v63  }
0x2f: {  	_ =	swait.ge [sflag:s11], $0x280  }
0x30: {  	[sflag:s11] =	ssyncset.done $0x0  }
0x31: {  	s31 =	sadd.s32 s16, s8;
	[sflag:s11] =	ssyncadd.s32 $0xFFFFFD80  }
0x32: {  	[tilespmem:s12], [sflag:$0x1] =	stream.linear.gather [hbm4b:s31+s3], $0x280, $0x38;
	[tilespmem:$0x1900] =	vst v63  }
0x33: {  	_ =	swait.ge [sflag:s11], $0x280  }
0x34: {  	[sflag:s11] =	ssyncset.done $0x0  }
0x35: {  	[sflag:s11] =	ssyncadd.s32 $0xFFFFFD80  }
0x36: {  	[spmem:s1] =	stream.indirect.scatter.add.f32 [tilespmem:s12], [sflag:$0x1], $0x1, s3, s12, $0xb8;
	[tilespmem:$0x1900] =	vst v63  }
0x37: {  	_ =	swait.ge [sflag:s11], $0x280  }
0x38: {  	s15 =	sadd.s32 $0x1, s15;
	[sflag:s11] =	ssyncset.done $0x0  }
0x39: {  	p0 =	sne.s32 s15, s7;
	[sflag:s11] =	ssyncadd.s32 $0xFFFFFD80  }
.Ltmp1:
0x3a: {  	[bflag:$0x0] =	sbarrier.arrive $0xFFFF;
	(pc) =	sbr.rel @p0 .LBB2_1-.Ltmp1, $4  }
0x3b: {  	[hbm:s6@s13], [sflag:s5] =	dma.strided [spmem:s10@s14], $0x280, s11, $0x10   }
0x3c: {  	_ =	swait.ge [sflag:s11], $0x280  }
0x3d: {  	[sflag:s11] =	ssyncset.done $0x0  }
0x3e: {  	[sflag:s11] =	ssyncadd.s32 $0xFFFFFD80  }
0x3f: {  	_ =	sfence.sel $0x180000  }
0x40: {  	[bflag:$0x0] =	sbarrier.arrive $0xFFFF  }
0x41: {  	p0 =	sne.s32 s2, $0x0;
	_ =	strace $0x9000004A  }
0x42: {  	s0 =	sadd.s32 @!p0 $0x100000, s0;
	[bflag:$0x2] =	sbarrier.arrive $0xFFFF  }
0x43: {  	[sflag:s0] =	ssyncadd.tile.s32 @!p0 $0x1;
	_ =	shalt  }
.Lfunc_end2:
_tile_overlayer_lowered:
.L_overlay_start_2:
0x44: {  	(tag) =	ssettag $0x2  }
0x45: {  	s0 =	rddreg [dreg:$0x0];
	s2 =	stileid.u32  }
0x46: {  	s1 =	rddreg [dreg:$0x1];
	p0 =	sne.s32 s2, $0x0  }
0x47: {  	s3 =	rddreg [dreg:$0x2];
	[bflag:$0x3] =	sbarrier.arrive $0xFFFF;
	s2 =	simm.s32 @!p0 $0x1C01  }
0x48: {  	[timem:s3], [sflag:s2] =	dma.local @!p0 [hbm:s0], s1  }
0x49: {  	s0 =	simm.s32 @!p0 $0x1  }
0x4a: {  	_ =	swait.ge @!p0 [sflag:s0], s1  }
0x4b: {  	s1 =	ssub.s32 @!p0 $0x0, s1;
	[sflag:s0] =	ssyncset.done @!p0 $0x0  }
0x4c: {  	[sflag:s0] =	ssyncadd.s32 @!p0 s1  }
0x4d: {  	[bflag:$0x3] =	sbarrier.arrive $0xFFFF  }
0x4e: {  	_ =	shalt  }

// kernel: kernel.8.cloned.1.call-start
scs
__scs_entry_jumppad:
0x0: {  	(pc) =	sbr.rel $0x88, $3  }
0x1: {  	(tag) =	ssettag $0x0;
	lr =	simm.s32 $0x1  }
0x2: {  	[smem:$0x3F8E] =	sst lr;
	_ =	strace $0xD0000000  }
0x3: {  	_ = 	snop  }
0x4: {  	_ = 	snop  }
0x5: {  	_ = 	snop  }
0x6: {  	_ = 	snop  }
0x7: {  	_ = 	snop  }
__scs_overlays_trampoline_lowered:
0x8: {  	[smem:$0x3F9D] =	sst s0  }
0x9: {  	[smem:$0x3F9E] =	sst s1  }
0xa: {  	[smem:$0x3F9F] =	sst s2  }
0xb: {  	[smem:$0x3FA0] =	sst s3  }
0xc: {  	[smem:$0x3FA1] =	sst s4  }
0xd: {  	[smem:$0x3FA2] =	sst s5  }
0xe: {  	[smem:$0x3FA3] =	sst s6  }
0xf: {  	[smem:$0x3FA4] =	sst s7  }
0x10: {  	[smem:$0x3FA5] =	sst s8  }
0x11: {  	[smem:$0x3FA6] =	sst s9;
	s0 =	simm.s32 @!p0 $0x0  }
0x12: {  	s1 =	sld [smem:$0x3F8C];
	s0 =	simm.s32 @p0 $0x1  }
0x13: {  	[smem:$0x3FA7] =	sst s0;
	s0 =	simm.s32 @!p1 $0x0  }
0x14: {  	s2 =	sld [smem:$0x3F8B];
	s0 =	simm.s32 @p1 $0x1  }
0x15: {  	[smem:$0x3FA8] =	sst s0;
	s0 =	simm.s32 @!p2 $0x0  }
0x16: {  	s3 =	sld [smem:$0x3FDB];
	s0 =	simm.s32 @p2 $0x1  }
0x17: {  	s4 =	simm.s32 $0x1BF5;
	[smem:$0x3FAA] =	sst s0  }
0x18: {  	s0 =	sld [smem:$0x3F8D];
	_ =	swait.ge [sflag:s4], $0x0  }
0x19: {  	s7 =	sld [smem:$0x3F8E]  }
0x1a: {  	s8 =	sadd.s32 $0xFFFFE003, lr  }
0x1b: {  	s9 =	sadd.s32 $0xFFFFFEF7, lr;
	s5 =	simm.s32 $0xFFFFFFFF;
	p2 =	slt.u32 s8, $0xFFFFF086  }
0x1c: {  	p1 =	slt.u32 s9, $0xF7A;
	s5 =	simm.s32 @!p2 $0x0  }
0x1d: {  	s5 =	simm.s32 @p1 $0x1;
	p0 =	seq.s32 s7, s2  }
0x1e: {  	s7 =	smul.u32 @!p0 $0xF7A, s2;
	p2 =	seq.s32 @!p0 s5, $0x0  }
0x1f: {  	s9 =	smul.u32 $0xF7A, s1;
	s8 =	simm.s32 @!p0 $0x1BF5;
	p2 =	por !p2, p0  }
0x20: {  	[sflag:s8] =	ssyncset.s32 @!p0 $0xFFFFF086;
	s6 =	sadd.s32 @!p0 s3, s7;
	s7 =	simm.s32 @!p0 $0x108  }
0x21: {  	s3 =	sadd.s32 s3, s9;
	s6 =	sadd.s32 @!p0 $0x88, s6;
	s7 =	simm.s32 @p2 $0x1082  }
0x22: {  	[simem:s7], [sflag:s8] =	dma.local @!p0 [hbm:s6], $0xF7A  }
0x23: {  	s9 =	sor.u32 $0xD0000000, s2;
	s6 =	simm.s32 $0x108;
	_ =	swait.ge @!p0 [sflag:s8], $0x0  }
0x24: {  	s3 =	sadd.s32 $0x88, s3;
	s6 =	simm.s32 @!p1 $0x1082;
	[sflag:s4] =	ssyncset.s32 $0xFFFFF086  }
0x25: {  	[simem:s6], [sflag:s4] =	dma.local [hbm:s3], $0xF7A  }
0x26: {  	[smem:$0x3F8E] =	sst s1;
	(tag) =	ssettag s2;
	_ =	strace s9  }
0x27: {  	s1 =	sld [smem:$0x3F9E]  }
0x28: {  	s2 =	sld [smem:$0x3F9F]  }
0x29: {  	s4 =	sld [smem:$0x3FA1]  }
0x2a: {  	p0 =	seq.s32 s5, $0x0;
	s5 =	sld [smem:$0x3FA2]  }
0x2b: {  	s6 =	sld [smem:$0x3FA3]  }
0x2c: {  	s7 =	sld [smem:$0x3FA4]  }
0x2d: {  	s3 =	simm.s32 $0x108;
	s8 =	sld [smem:$0x3FA5]  }
0x2e: {  	s3 =	simm.s32 @!p0 $0x1082;
	s9 =	sld [smem:$0x3FA6]  }
0x2f: {  	lr =	sadd.s32 s0, s3;
	s0 =	sld [smem:$0x3F9D]  }
0x30: {  	s3 =	sld [smem:$0x3FA0]  }
0x31: {  	[smem:$0x3FA9] =	sst s10  }
0x32: {  	s10 =	sld [smem:$0x3FA7];
	_ =	sdelay $0x3  }
0x33: {  	p0 =	seq.s32 s10, $0x1;
	s10 =	sld [smem:$0x3FA9];
	_ =	sdelay $0x3  }
0x34: {  	[smem:$0x3FA9] =	sst s10  }
0x35: {  	s10 =	sld [smem:$0x3FA8];
	_ =	sdelay $0x3  }
0x36: {  	p1 =	seq.s32 s10, $0x1;
	s10 =	sld [smem:$0x3FA9];
	_ =	sdelay $0x3  }
0x37: {  	[smem:$0x3FA9] =	sst s10  }
0x38: {  	s10 =	sld [smem:$0x3FAA]  }
0x39: {  	_ = 	snop;
	(pc) =	sbr.ind lr, $3  }
0x3a: {  	_ = 	snop  }
0x3b: {  	_ = 	snop  }
0x3c: {  	p2 =	seq.s32 s10, $0x1;
	s10 =	sld [smem:$0x3FA9]  }
0x3d: {  	_ =	shalt  }
0x3e: {  	_ =	shalt  }
0x3f: {  	_ =	shalt  }
0x40: {  	_ =	shalt  }
0x41: {  	_ =	shalt  }
0x42: {  	_ =	shalt  }
0x43: {  	_ =	shalt  }
0x44: {  	_ =	shalt  }
0x45: {  	_ =	shalt  }
0x46: {  	_ =	shalt  }
0x47: {  	_ =	shalt  }
0x48: {  	_ =	shalt  }
0x49: {  	_ =	shalt  }
0x4a: {  	_ =	shalt  }
0x4b: {  	_ =	shalt  }
0x4c: {  	_ =	shalt  }
0x4d: {  	_ =	shalt  }
0x4e: {  	_ =	shalt  }
0x4f: {  	_ =	shalt  }
0x50: {  	_ =	shalt  }
0x51: {  	_ =	shalt  }
0x52: {  	_ =	shalt  }
0x53: {  	_ =	shalt  }
0x54: {  	_ =	shalt  }
0x55: {  	_ =	shalt  }
0x56: {  	_ =	shalt  }
0x57: {  	_ =	shalt  }
0x58: {  	_ =	shalt  }
0x59: {  	_ =	shalt  }
0x5a: {  	_ =	shalt  }
0x5b: {  	_ =	shalt  }
0x5c: {  	_ =	shalt  }
0x5d: {  	_ =	shalt  }
0x5e: {  	_ =	shalt  }
0x5f: {  	_ =	shalt  }
0x60: {  	_ =	shalt  }
0x61: {  	_ =	shalt  }
0x62: {  	_ =	shalt  }
0x63: {  	_ =	shalt  }
0x64: {  	_ =	shalt  }
0x65: {  	_ =	shalt  }
0x66: {  	_ =	shalt  }
0x67: {  	_ =	shalt  }
0x68: {  	_ =	shalt  }
0x69: {  	_ =	shalt  }
0x6a: {  	_ =	shalt  }
0x6b: {  	_ =	shalt  }
0x6c: {  	_ =	shalt  }
0x6d: {  	_ =	shalt  }
0x6e: {  	_ =	shalt  }
0x6f: {  	_ =	shalt  }
0x70: {  	_ =	shalt  }
0x71: {  	_ =	shalt  }
0x72: {  	_ =	shalt  }
0x73: {  	_ =	shalt  }
0x74: {  	_ =	shalt  }
0x75: {  	_ =	shalt  }
0x76: {  	_ =	shalt  }
0x77: {  	_ =	shalt  }
0x78: {  	_ =	shalt  }
0x79: {  	_ =	shalt  }
0x7a: {  	_ =	shalt  }
0x7b: {  	_ =	shalt  }
0x7c: {  	_ =	shalt  }
0x7d: {  	_ =	shalt  }
0x7e: {  	_ =	shalt  }
0x7f: {  	_ =	shalt  }
0x80: {  	_ =	shalt  }
0x81: {  	_ =	shalt  }
0x82: {  	_ =	shalt  }
0x83: {  	_ =	shalt  }
0x84: {  	_ =	shalt  }
0x85: {  	_ =	shalt  }
0x86: {  	_ =	shalt  }
0x87: {  	_ =	shalt  }
.Lfunc_end0:
.L_simem_size_0:
called_computation_lowered:
.L_overlay_start_0:
0x88: {  	s2 =	sld [smem:$0x3FD9]  }
0x89: {  	s3 =	sld [smem:$0x3FFE];
	_ =	sdelay $0x1  }
0x8a: {  	s1 =	srdreg.scid  }
0x8b: {  	s0 =	sand.u32 $0x1, s1  }
0x8c: {  	s17 =	sshll.u32 s0, $0xA;
	s2 =	sadd.s32 s3, s2  }
0x8d: {  	s2 =	sadd.s32 s2, s17  }
0x8e: {  	[smem:$0x3FB5] =	sst s2  }
0x8f: {  	_ = 	snop  }
0x90: {  	s2 =	sld [smem:$0x3FD0];
	(tm) =	ssettm $0x1  }
0x91: {  	s18 =	sld [smem:$0x3FFB];
	_ =	sdelay $0x3  }
0x92: {  	_ =	strace s18  }
0x93: {  	s3 =	sld [smem:$0x3FFC];
	_ =	sdelay $0x3  }
0x94: {  	_ =	strace s3  }
0x95: {  	s3 =	sld [smem:$0x3FFD];
	_ =	sdelay $0x3  }
0x96: {  	_ =	strace s3  }
0x97: {  	_ =	strace $0x8FFFFFFF  }
0x98: {  	s19 =	sld [smem:$0x3FDB];
	_ =	sdelay $0x1  }
0x99: {  	s4 =	simm.s32 $_scs_section_size  }
0x9a: {  	s5 =	simm.s32 $_size__tile_overlayer_lowered;
	s6 =	simm.s32 $_tile_overlayer_lowered  }
0x9b: {  	s22 =	simm.s32 $0x1BFF;
	s21 =	sshll.u32 s6, $0x1;
	s3 =	sadd.s32 s4, s19  }
0x9c: {  	s7 =	simm.s32 $0x0;
	s20 =	sshll.u32 s5, $0x1;
	s5 =	sadd.s32 s21, s3  }
0x9d: {  	[timem:s7], [sflag:s22] =	dma.local [hbm:s5], s20  }
0x9e: {  	_ =	swait.ge [sflag:s22], s20  }
0x9f: {  	s4 =	ssub.s32 $0x0, s20;
	[sflag:s22] =	ssyncset.done $0x0  }
0xa0: {  	[sflag:s22] =	ssyncadd.s32 s4;
	_ =	sdelay $0x1  }
0xa1: {  	s23 =	simm.s32 $0x1B8B  }
0xa2: {  	_ =	swait.ge [sflag:s23], $0x1  }
0xa3: {  	[sflag:s23] =	ssyncset.done $0x0  }
0xa4: {  	s25 =	simm.s32 $0x1B8E;
	s24 =	sld [smem:$0x3FFE];
	[sflag:s23] =	ssyncadd.s32 $0xFFFFFFFF  }
0xa5: {  	s26 =	simm.s32 $execute0_lowered;
	[smem:$0x3FD2] =	sst s25  }
0xa6: {  	s5 =	sshll.u32 s26, $0x1;
	_ =	strace $0x80000046;
	[dreg:$0x1] =	wrdreg $0xFFFFFFFF  }
0xa7: {  	s28 =	simm.s32 $_size_execute0_lowered;
	s3 =	sadd.s32 s3, s5;
	[dreg:$0x0] =	wrdreg $0x0  }
0xa8: {  	s5 =	sshll.u32 s28, $0x1;
	[dreg:$0x2] =	wrdreg s3  }
0xa9: {  	[dreg:$0x3] =	wrdreg s5  }
0xaa: {  	[dreg:$0x4] =	wrdreg $0xC0  }
0xab: {  	_ =	task [dreg:s7], $0x5FFFF  }
0xac: {  	[dreg:$0x1] =	wrdreg $0xFFFFFFFF  }
0xad: {  	[dreg:$0x0] =	wrdreg $0x60  }
0xae: {  	[dreg:$0x2] =	wrdreg s24  }
0xaf: {  	[dreg:$0x3] =	wrdreg s2  }
0xb0: {  	[dreg:$0x4] =	wrdreg $0x9  }
0xb1: {  	_ =	task.clear_ibuf [dreg:s7], $0x5FFFF;
	_ =	strace $0x90000046  }
0xb2: {  	s29 =	simm.s32 $0x9;
	_ =	strace $0x80000048  }
0xb3: {  	_ =	swait.ge [sflag:s29], $0x1  }
0xb4: {  	[sflag:s29] =	ssyncadd.s32 $0xFFFFFFFF  }
0xb5: {  	_ =	strace $0x90000048  }
0xb6: {  	_ =	sfence  }
0xb7: {  	s30 =	sld [smem:$0x0];
	_ =	sdelay $0x2  }
0xb8: {  	s31 =	sshll.u32 s1, $0xD;
	s1 =	sshrl.u32 s1, $0x2  }
0xb9: {  	s3 =	sand.u32 $0x4000, s31;
	s1 =	sadd.s32 s1, s30  }
0xba: {  	s0 =	sor.u32 s3, s0;
	s1 =	sshll.u32 s1, $0x11  }
0xbb: {  	s0 =	sor.u32 s1, s0  }
0xbc: {  	s0 =	sadd.s32 $0x8F2B, s0  }
0xbd: {  	[sflag:s0] =	ssyncadd.remote.s32 $0x1  }
0xbe: {  	_ =	sfence.sel $0xFFFF  }
0xbf: {  	[dreg:$0x0] =	wrdreg $0xFFFFFFFF;
	(pc) =	sbr.abs _section_cstart, $3  }
0xc0: {  	[dreg:$0x1] =	wrdreg $0xFFFFFFFF  }
0xc1: {  	_ =	task.clear_ibuf [dreg:s7], $0x2FFFF;
	_ =	strace $0x9FFFFFFF  }
0xc2: {  	(tm) =	ssettm $0x7FFFFFFF  }
0xc3: {  	_ =	shalt  }
tec
execute0_lowered:
.L_overlay_start_1:
0x0: {  	(tag) =	ssettag $0x1  }
0x1: {  	s1 =	srdreg.scid  }
0x2: {  	s0 =	stileid.u32;
	s5 =	rddreg [dreg:$0x0]  }
0x3: {  	s2 =	rddreg [dreg:$0x1];
	s3 =	simm.s32 $0x0;
	s13 =	simm.s32 $0x100  }
0x4: {  	s14 =	simm.s32 $0x2900;
	s15 =	simm.s32 $0x3100;
	s16 =	simm.s32 $0x3900  }
0x5: {  	s17 =	simm.s32 $0x4100;
	s18 =	simm.s32 $0x4900;
	s19 =	simm.s32 $0x5100  }
0x6: {  	s20 =	simm.s32 $0x5900;
	s21 =	simm.s32 $0x6100;
	s4 =	smul.u32 $0x4E20, s0  }
0x7: {  	s22 =	simm.s32 $0x6900;
	s23 =	simm.s32 $0x7100;
	s30 =	smul.u32 $0x4E200, s0  }
0x8: {  	s24 =	simm.s32 $0x1;
	s6 =	sand.u32 $0x1, s1;
	s8 =	smul.u32 $0x9C400, s0  }
0x9: {  	s25 =	simm.s32 $0x2;
	s1 =	rddreg [dreg:$0x2];
	s7 =	smul.u32 $0x2710, s6  }
0xa: {  	s26 =	simm.s32 $0x0;
	[smem:$0x7FF] =	sst s3;
	s11 =	smul.u32 $0x4E200, s6  }
0xb: {  	_ =	strace $0x80000047;
	s10 =	ssub.s32 $0x2, s6;
	s6 =	smul.u32 $0x27100, s6  }
0xc: {  	s12 =	sshrl.u32 s10, $0x1;
	s8 =	sadd.s32 s8, s5;
	s4 =	sadd.s32 s7, s4  }
0xd: {  	s7 =	sadd.s32 s30, s5;
	s31 =	ssub.s32 s10, s12;
	s8 =	sadd.s32 s11, s8  }
0xe: {  	s10 =	simm.s32 $0x3;
	s11 =	simm.s32 $0x80;
	s12 =	simm.s32 $0x50  }
0xf: {  	v2 =	vlaneseq.u32;
	s4 =	sshrl.u32 s4, $0x3;
	s7 =	sadd.s32 s6, s7;
	s6 =	sadd.s32 $0x56EE00, s8  }
0x10: {  	vm0 =	vmmov $0xffff;
	v1 =	vshrl.u32 v2, $0x3;
	s9 =	sadd.s32 s4, s5;
	s4 =	sadd.s32 $0x17A00, s5;
	s5 =	smax.u32 s31, $0x1  }
0x11: {  	v0 =	vand.u32 $0x7, v2;
	v2 =	vor.u32 $0x8, v2;
	v1 =	vmul.u32 $0x8, v1;
	s7 =	sadd.s32 $0x8CE00, s7;
	s8 =	sadd.s32 $0xDC00, s9;
	s9 =	sadd.s32 $0x3E00, s9  }
.LBB2_1:
0x12: {  	s28 =	smov.u32 s7;
	s29 =	smov.u32 s6;
	s30 =	simm.s32 $0x0  }
.LBB2_2:
0x13: {  	s31 =	sadd.s32 s30, s9  }
0x14: {  	[tilespmem:s3], [sflag:$0x3] =	stream.linear.gather [hbm4b:s31+s3], $0x50, $0x38;
	[tilespmem:$0x7900] =	vst v63  }
0x15: {  	_ =	swait.ge [sflag:s10], $0x50  }
0x16: {  	[sflag:s10] =	ssyncset.done $0x0  }
0x17: {  	s31 =	sadd.s32 s30, s8;
	[sflag:s10] =	ssyncadd.s32 $0xFFFFFFB0  }
0x18: {  	[tilespmem:s11], [sflag:$0x3] =	stream.linear.gather [hbm4b:s31+s3], $0x50, $0x38;
	[tilespmem:$0x7900] =	vst v63  }
0x19: {  	_ =	swait.ge [sflag:s10], $0x50  }
0x1a: {  	[sflag:s10] =	ssyncset.done $0x0  }
0x1b: {  	[sflag:s10] =	ssyncadd.s32 $0xFFFFFFB0  }
0x1c: {  	[tilespmem:s13], [sflag:$0x1] =	stream.indirect.gather [hbm4b:s2+s12], $0x80, s11, s12, $0xb8;
	[tilespmem:$0x7900] =	vst v63  }
0x1d: {  	v3 =	vld [tilespmem:$0x0];
	_ =	sdelay $0x4  }
0x1e: {  	v4 =	vshll.u32 v3, $0x1  }
0x1f: {  	v3 =	vand.u32 $0x7, v3;
	v4 =	vand.u32 $0xFFFFFFF0, v4  }
0x20: {  	v3 =	vor.u32 v3, v4  }
0x21: {  	v4 =	vperm.xlane v3, v0;
	_ =	sdelay $0x1  }
0x22: {  	v3 =	vperm.xlane v3, v2;
	v4 =	vadd.s32 v1, v4;
	_ =	sdelay $0x1  }
0x23: {  	v3 =	vadd.s32 v1, v3;
	_ =	sdelay $0x2  }
0x24: {  	[tilespmem:s14], [sflag:$0x2] =	stream.indirect_vreg.gather [hbm4b:s4+s3], $0x80, v4, vm0, $0xb8;
	[tilespmem:$0x7900] =	vst v63  }
0x25: {  	_ = 	snop  }
0x26: {  	[tilespmem:s15], [sflag:$0x2] =	stream.indirect_vreg.gather [hbm4b:s4+s3], $0x80, v3, vm0, $0xb8;
	[tilespmem:$0x7900] =	vst v63  }
0x27: {  	v3 =	vld [tilespmem:$0x10];
	_ =	sdelay $0x4  }
0x28: {  	v60 =	vshll.u32 v3, $0x1  }
0x29: {  	v3 =	vand.u32 $0x7, v3;
	v4 =	vand.u32 $0xFFFFFFF0, v60  }
0x2a: {  	v3 =	vor.u32 v3, v4  }
0x2b: {  	v4 =	vperm.xlane v3, v0;
	_ =	sdelay $0x1  }
0x2c: {  	v3 =	vperm.xlane v3, v2;
	v4 =	vadd.s32 v1, v4;
	_ =	sdelay $0x1  }
0x2d: {  	v3 =	vadd.s32 v1, v3;
	_ =	sdelay $0x2  }
0x2e: {  	[tilespmem:s16], [sflag:$0x2] =	stream.indirect_vreg.gather [hbm4b:s4+s3], $0x80, v4, vm0, $0xb8;
	[tilespmem:$0x7900] =	vst v63  }
0x2f: {  	_ = 	snop  }
0x30: {  	[tilespmem:s17], [sflag:$0x2] =	stream.indirect_vreg.gather [hbm4b:s4+s3], $0x80, v3, vm0, $0xb8;
	[tilespmem:$0x7900] =	vst v63  }
0x31: {  	v3 =	vld [tilespmem:$0x20];
	_ =	sdelay $0x4  }
0x32: {  	v61 =	vshll.u32 v3, $0x1  }
0x33: {  	v3 =	vand.u32 $0x7, v3;
	v4 =	vand.u32 $0xFFFFFFF0, v61  }
0x34: {  	v3 =	vor.u32 v3, v4  }
0x35: {  	v4 =	vperm.xlane v3, v0;
	_ =	sdelay $0x1  }
0x36: {  	v3 =	vperm.xlane v3, v2;
	v4 =	vadd.s32 v1, v4;
	_ =	sdelay $0x1  }
0x37: {  	v3 =	vadd.s32 v1, v3;
	_ =	sdelay $0x2  }
0x38: {  	[tilespmem:s18], [sflag:$0x2] =	stream.indirect_vreg.gather [hbm4b:s4+s3], $0x80, v4, vm0, $0xb8;
	[tilespmem:$0x7900] =	vst v63  }
0x39: {  	_ = 	snop  }
0x3a: {  	[tilespmem:s19], [sflag:$0x2] =	stream.indirect_vreg.gather [hbm4b:s4+s3], $0x80, v3, vm0, $0xb8;
	[tilespmem:$0x7900] =	vst v63  }
0x3b: {  	v3 =	vld [tilespmem:$0x30];
	_ =	sdelay $0x4  }
0x3c: {  	v62 =	vshll.u32 v3, $0x1  }
0x3d: {  	v3 =	vand.u32 $0x7, v3;
	v4 =	vand.u32 $0xFFFFFFF0, v62  }
0x3e: {  	v3 =	vor.u32 v3, v4  }
0x3f: {  	v4 =	vperm.xlane v3, v0;
	_ =	sdelay $0x1  }
0x40: {  	v3 =	vperm.xlane v3, v2;
	v4 =	vadd.s32 v1, v4;
	_ =	sdelay $0x1  }
0x41: {  	v3 =	vadd.s32 v1, v3;
	_ =	sdelay $0x2  }
0x42: {  	[tilespmem:s20], [sflag:$0x2] =	stream.indirect_vreg.gather [hbm4b:s4+s3], $0x80, v4, vm0, $0xb8;
	[tilespmem:$0x7900] =	vst v63  }
0x43: {  	_ = 	snop  }
0x44: {  	[tilespmem:s21], [sflag:$0x2] =	stream.indirect_vreg.gather [hbm4b:s4+s3], $0x80, v3, vm0, $0xb8;
	[tilespmem:$0x7900] =	vst v63  }
0x45: {  	v3 =	vld [tilespmem:$0x40];
	_ =	sdelay $0x4  }
0x46: {  	v63 =	vshll.u32 v3, $0x1  }
0x47: {  	v3 =	vand.u32 $0x7, v3;
	v4 =	vand.u32 $0xFFFFFFF0, v63  }
0x48: {  	v3 =	vor.u32 v3, v4  }
0x49: {  	v4 =	vperm.xlane v3, v0;
	_ =	sdelay $0x1  }
0x4a: {  	v3 =	vperm.xlane v3, v2;
	v4 =	vadd.s32 v1, v4;
	_ =	sdelay $0x1  }
0x4b: {  	v3 =	vadd.s32 v1, v3;
	_ =	sdelay $0x2  }
0x4c: {  	[tilespmem:s22], [sflag:$0x2] =	stream.indirect_vreg.gather [hbm4b:s4+s3], $0x80, v4, vm0, $0xb8;
	[tilespmem:$0x7900] =	vst v63  }
0x4d: {  	_ = 	snop  }
0x4e: {  	[tilespmem:s23], [sflag:$0x2] =	stream.indirect_vreg.gather [hbm4b:s4+s3], $0x80, v3, vm0, $0xb8;
	[tilespmem:$0x7900] =	vst v63  }
0x4f: {  	_ =	swait.ge [sflag:s24], $0x2800  }
0x50: {  	[sflag:s24] =	ssyncset.done $0x0  }
0x51: {  	[sflag:s24] =	ssyncadd.s32 $0xFFFFD800  }
0x52: {  	_ =	swait.ge [sflag:s25], $0x5000  }
0x53: {  	[sflag:s25] =	ssyncset.done $0x0  }
0x54: {  	[sflag:s25] =	ssyncadd.s32 $0xFFFFB000  }
0x55: {  	[hbm4b:s28+s3] =	stream.linear.scatter [tilespmem:s13], [sflag:$0x3], $0x2800, $0x38;
	[tilespmem:$0x7900] =	vst v63  }
0x56: {  	_ =	swait.ge [sflag:s10], $0x2800  }
0x57: {  	p0 =	sne.s32 s30, $0x4D8;
	[sflag:s10] =	ssyncset.done $0x0  }
.Ltmp0:
0x58: {  	[sflag:s10] =	ssyncadd.s32 $0xFFFFD800;
	(pc) =	sbr.rel @p0 .LBB2_2-.Ltmp0, $4  }
0x59: {  	[hbm4b:s29+s3] =	stream.linear.scatter [tilespmem:s14], [sflag:$0x3], $0x5000, $0x38;
	[tilespmem:$0x7900] =	vst v63  }
0x5a: {  	_ =	swait.ge [sflag:s10], $0x5000  }
0x5b: {  	s30 =	sadd.s32 $0xA, s30;
	[sflag:s10] =	ssyncset.done $0x0  }
0x5c: {  	s28 =	sadd.s32 $0x500, s28;
	s29 =	sadd.s32 $0xA00, s29;
	[sflag:s10] =	ssyncadd.s32 $0xFFFFB000  }
0x5d: {  	s26 =	sadd.s32 $0x1, s26  }
0x5e: {  	p0 =	sne.s32 s26, s5  }
.Ltmp1:
0x5f: {  	_ = 	snop;
	(pc) =	sbr.rel @p0 .LBB2_1-.Ltmp1, $1  }
0x60: {  	_ =	sdelay $0x3  }
0x61: {  	_ =	sfence.sel $0x180000  }
0x62: {  	[bflag:$0x0] =	sbarrier.arrive $0xFFFF  }
0x63: {  	p0 =	sne.s32 s0, $0x0;
	_ =	strace $0x90000047  }
0x64: {  	s0 =	sadd.s32 @!p0 $0x100000, s1;
	[bflag:$0x2] =	sbarrier.arrive $0xFFFF  }
0x65: {  	[sflag:s0] =	ssyncadd.tile.s32 @!p0 $0x1;
	_ =	shalt  }
.Lfunc_end2:
_tile_overlayer_lowered:
.L_overlay_start_2:
0x66: {  	(tag) =	ssettag $0x2  }
0x67: {  	s0 =	rddreg [dreg:$0x0];
	s2 =	stileid.u32  }
0x68: {  	s1 =	rddreg [dreg:$0x1];
	p0 =	sne.s32 s2, $0x0  }
0x69: {  	s3 =	rddreg [dreg:$0x2];
	[bflag:$0x3] =	sbarrier.arrive $0xFFFF;
	s2 =	simm.s32 @!p0 $0x1C03  }
0x6a: {  	[timem:s3], [sflag:s2] =	dma.local @!p0 [hbm:s0], s1  }
0x6b: {  	s0 =	simm.s32 @!p0 $0x3  }
0x6c: {  	_ =	swait.ge @!p0 [sflag:s0], s1  }
0x6d: {  	s1 =	ssub.s32 @!p0 $0x0, s1;
	[sflag:s0] =	ssyncset.done @!p0 $0x0  }
0x6e: {  	[sflag:s0] =	ssyncadd.s32 @!p0 s1  }
0x6f: {  	[bflag:$0x3] =	sbarrier.arrive $0xFFFF  }
0x70: {  	_ =	shalt  }

</sc_bundles>
